<compile_context>
chip_gen: v7x
topology: tpu7x:2x2x1
jax: 0.10.2.dev20260603
libtpu: 0.0.44.dev20260713+nightly
codegen_flags: <defaults>
</compile_context>

<pallas_src>
import functools

import jax
import jax.numpy as jnp
import numpy as np
from jax import lax
from jax.experimental import pallas as pl
from jax.experimental.pallas import tpu as pltpu
from jax.experimental.pallas import tpu_sc as plsc

B = 4096
NUM_DENSE = 13
NF = 26
VOCAB = 100000
DIM = 32
NFEAT = NF + 1

NC, NS = 2, 16
NW = NC * NS
NROWS = NF * DIM
RPW = NROWS // NW
NVEC = B // 16
SEG0 = 50048
SEG1 = VOCAB - SEG0


def _sc_gather_body(q_hbm, idxt_hbm, out_hbm,
                    buf0, buf1, idx0, idx1, o0, o1, ssem0, ssem1, isem, osem):
    wid = lax.axis_index("s") * NC + lax.axis_index("c")
    base = wid * RPW

    def start_h0(r):
        rr = jnp.minimum(r, NROWS - 1)
        pltpu.async_copy(q_hbm.at[rr, pl.ds(0, SEG0)], buf0, ssem0)

    def start_h1(r):
        rr = jnp.minimum(r, NROWS - 1)
        pltpu.async_copy(q_hbm.at[rr, pl.ds(SEG0, SEG1)], buf1, ssem1)

    def start_idx(r, idx_v):
        rr = jnp.minimum(r, NROWS - 1)
        pltpu.async_copy(idxt_hbm.at[rr // DIM], idx_v, isem)

    def wait_h0():
        pltpu.make_async_copy(q_hbm.at[0, pl.ds(0, SEG0)], buf0, ssem0).wait()

    def wait_h1():
        pltpu.make_async_copy(q_hbm.at[0, pl.ds(SEG0, SEG1)], buf1, ssem1).wait()

    def wait_idx(idx_v):
        pltpu.make_async_copy(idxt_hbm.at[0], idx_v, isem).wait()

    def wait_out(out_v):
        pltpu.make_async_copy(out_v, out_hbm.at[0], osem).wait()

    start_idx(base, idx0)
    start_h0(base)
    start_h1(base)

    def do_row(r, j, idx_v, idx_n, out_v, first):
        wait_idx(idx_v)
        start_idx(r + 1, idx_n)
        @pl.when(jnp.logical_not(first))
        def _():
            wait_out(out_v)

        wait_h0()

        def g0(k, _):
            iv = idx_v[pl.ds(k * 16, 16)]
            loc = jnp.minimum(iv, SEG0 - 1)
            out_v[pl.ds(k * 16, 16)] = plsc.load_gather(buf0, [loc])
            return 0

        lax.fori_loop(0, NVEC, g0, 0)
        start_h0(r + 1)

        wait_h1()

        def g1(k, _):
            iv = idx_v[pl.ds(k * 16, 16)]
            loc = jnp.maximum(iv - SEG0, 0)
            g = plsc.load_gather(buf1, [loc])
            prev = out_v[pl.ds(k * 16, 16)]
            out_v[pl.ds(k * 16, 16)] = jnp.where(iv >= SEG0, g, prev)
            return 0

        lax.fori_loop(0, NVEC, g1, 0)
        start_h1(r + 1)
        pltpu.async_copy(out_v, out_hbm.at[r], osem)

    def pair_step(j, _):
        ra = base + 2 * j
        do_row(ra, j, idx0, idx1, o0, j == 0)
        do_row(ra + 1, j, idx1, idx0, o1, j == 0)
        return 0

    lax.fori_loop(0, RPW // 2, pair_step, 0)
    wait_h0()
    wait_h1()
    wait_idx(idx0)
    wait_out(o0)
    wait_out(o1)


@functools.cache
def _sc_gather():
    return pl.kernel(
        _sc_gather_body,
        out_type=jax.ShapeDtypeStruct((NROWS, B), jnp.float32),
        mesh=plsc.VectorSubcoreMesh(
            core_axis_name="c", subcore_axis_name="s",
            num_cores=NC, num_subcores=NS),
        scratch_types=[
            pltpu.VMEM((SEG0,), jnp.float32),
            pltpu.VMEM((SEG1,), jnp.float32),
            pltpu.VMEM((B,), jnp.int32),
            pltpu.VMEM((B,), jnp.int32),
            pltpu.VMEM((B,), jnp.float32),
            pltpu.VMEM((B,), jnp.float32),
            pltpu.SemaphoreType.DMA,
            pltpu.SemaphoreType.DMA,
            pltpu.SemaphoreType.DMA,
            pltpu.SemaphoreType.DMA,
        ],
        compiler_params=pltpu.CompilerParams(
            use_tc_tiling_on_sc=True, needs_layout_passes=False),
    )

BB = 256
GRID = B // BB
BBB = 256
GRIDB = B // BBB


def _tc_bot_body(denset_ref, w0t, b0, w1t, b1, w2t, b2, out_ref):
    xT = denset_ref[...]
    h = jnp.maximum(jnp.dot(w0t[...], xT, preferred_element_type=jnp.float32)
                    + b0[...], 0.0)
    h = jnp.maximum(jnp.dot(w1t[...], h, preferred_element_type=jnp.float32)
                    + b1[...], 0.0)
    out_ref[...] = jnp.maximum(
        jnp.dot(w2t[...], h, preferred_element_type=jnp.float32)
        + b2[...], 0.0)


_tc_bot = pl.pallas_call(
    _tc_bot_body,
    grid=(GRIDB,),
    in_specs=[
        pl.BlockSpec((NUM_DENSE, BBB), lambda i: (0, i)),
        pl.BlockSpec((512, NUM_DENSE), lambda i: (0, 0)),
        pl.BlockSpec((512, 1), lambda i: (0, 0)),
        pl.BlockSpec((256, 512), lambda i: (0, 0)),
        pl.BlockSpec((256, 1), lambda i: (0, 0)),
        pl.BlockSpec((DIM, 256), lambda i: (0, 0)),
        pl.BlockSpec((DIM, 1), lambda i: (0, 0)),
    ],
    out_specs=pl.BlockSpec((DIM, BBB), lambda i: (0, i)),
    out_shape=jax.ShapeDtypeStruct((DIM, B), jnp.float32),
)


def _tc_body(dt_ref, embst_ref, wdt, mt, tb0, t1t, tb1, t2t, tb2, out_ref):
    dT = dt_ref[...]
    eT = embst_ref[...]
    xt = jnp.concatenate([eT, dT], axis=0)
    x3 = xt.reshape(NFEAT, DIM, BB)
    zrows = [jnp.sum(x3 * x3[i][None], axis=1) for i in range(NFEAT)]
    zt = jnp.concatenate(zrows, axis=0)

    h = jnp.dot(wdt[...], dT, preferred_element_type=jnp.float32)
    h = h + jnp.dot(mt[...], zt, preferred_element_type=jnp.float32)
    h = jnp.maximum(h + tb0[...], 0.0)
    h = jnp.maximum(jnp.dot(t1t[...], h, preferred_element_type=jnp.float32)
                    + tb1[...], 0.0)
    o = jnp.dot(t2t[...], h, preferred_element_type=jnp.float32) + tb2[...]
    out_ref[...] = jax.nn.sigmoid(o)


def _const_spec(shape):
    return pl.BlockSpec(shape, lambda i: (0,) * len(shape))


_tc_call = pl.pallas_call(
    _tc_body,
    grid=(GRID,),
    in_specs=[
        pl.BlockSpec((DIM, BB), lambda i: (0, i)),
        pl.BlockSpec((NROWS, BB), lambda i: (0, i)),
        _const_spec((512, DIM)), _const_spec((512, NFEAT * NFEAT)),
        _const_spec((512, 1)),
        _const_spec((256, 512)), _const_spec((256, 1)),
        _const_spec((1, 256)), _const_spec((1, 1)),
    ],
    out_specs=pl.BlockSpec((1, BB), lambda i: (0, i)),
    out_shape=jax.ShapeDtypeStruct((1, B), jnp.float32),
)

_LI, _LJ = np.tril_indices(NFEAT, -1)
_M_ROWS = np.asarray(_LI * NFEAT + _LJ, dtype=np.int32)


def kernel(dense_features, sparse_features, tables,
           bot_w0, bot_b0, bot_w1, bot_b1, bot_w2, bot_b2,
           top_w0, top_b0, top_w1, top_b1, top_w2, top_b2):
    q = jnp.swapaxes(tables, 1, 2).reshape(NROWS, VOCAB)
    idxt = sparse_features.T.astype(jnp.int32)
    dt = _tc_bot(
        dense_features.T,
        bot_w0.T, bot_b0[:, None], bot_w1.T, bot_b1[:, None],
        bot_w2.T, bot_b2[:, None],
    )
    embst = _sc_gather()(q, idxt)
    m = jnp.zeros((NFEAT * NFEAT, 512), jnp.float32).at[_M_ROWS].set(top_w0[DIM:])
    out = _tc_call(
        dt, embst,
        top_w0[:DIM].T, m.T, top_b0[:, None],
        top_w1.T, top_b1[:, None], top_w2.T, top_b2[:, None],
    )
    return out.reshape(-1)

# --- scband reference (transcript-rebuilt; emitter-appended) ---
"""Pipeline reference for scband-dlrm-29772713296020 (READ-ONLY COPY).

The authoritative reference and input builder live on the scoring server;
editing this copy changes nothing except your own understanding.
"""

import jax, jax.numpy as jnp
import numpy as np

B = 4096
NUM_DENSE = 13
NUM_SPARSE = 26
VOCAB = 100000
DIM = 32
LN_BOT = [NUM_DENSE, 512, 256, 32]
TOP_IN = 32 + (NUM_SPARSE + 1) * NUM_SPARSE // 2  # 32 + 351 = 383
LN_TOP = [TOP_IN, 512, 256, 1]


def _dense_params(key, dims, prefix):
    params = {}
    for i in range(len(dims) - 1):
        k1, k2, key = jax.random.split(key, 3)
        fan_in = dims[i]
        params[prefix + 'w' + str(i)] = jax.random.normal(k1, (dims[i], dims[i + 1]), dtype=jnp.float32) * (1.0 / np.sqrt(fan_in))
        params[prefix + 'b' + str(i)] = jnp.zeros((dims[i + 1],), dtype=jnp.float32)
    return params


def setup_inputs(seed: int = 0) -> dict:
    key = jax.random.key(seed)
    k0, k1, k2, k3, k4 = jax.random.split(key, 5)
    inp = {}
    inp['dense_features'] = jax.random.normal(k0, (B, NUM_DENSE), dtype=jnp.float32)
    inp['sparse_features'] = jax.random.randint(k1, (B, NUM_SPARSE), 0, VOCAB, dtype=jnp.int64) if jax.config.jax_enable_x64 else jax.random.randint(k1, (B, NUM_SPARSE), 0, VOCAB, dtype=jnp.int32)
    inp['tables'] = jax.random.normal(k2, (NUM_SPARSE, VOCAB, DIM), dtype=jnp.float32) * 0.01
    inp.update(_dense_params(k3, LN_BOT, 'bot_'))
    inp.update(_dense_params(k4, LN_TOP, 'top_'))
    return inp


def _mlp(x, params, prefix, n_layers, out_sigmoid):
    for i in range(n_layers):
        x = x @ params[prefix + 'w' + str(i)] + params[prefix + 'b' + str(i)]
        if i < n_layers - 1:
            x = jax.nn.relu(x)
        else:
            x = jax.nn.sigmoid(x) if out_sigmoid else jax.nn.relu(x)
    return x


def reference(dense_features, sparse_features, tables,
              bot_w0, bot_b0, bot_w1, bot_b1, bot_w2, bot_b2,
              top_w0, top_b0, top_w1, top_b1, top_w2, top_b2):
    inp = {
        'dense_features': dense_features,
        'sparse_features': sparse_features,
        'tables': tables,
        'bot_w0': bot_w0, 'bot_b0': bot_b0,
        'bot_w1': bot_w1, 'bot_b1': bot_b1,
        'bot_w2': bot_w2, 'bot_b2': bot_b2,
        'top_w0': top_w0, 'top_b0': top_b0,
        'top_w1': top_w1, 'top_b1': top_b1,
        'top_w2': top_w2, 'top_b2': top_b2,
    }
    dense_features = inp['dense_features']
    sparse_features = inp['sparse_features']
    tables = inp['tables']
    # per-field embedding lookup: tables[i][sparse[:, i]] -> [NUM_SPARSE, B, DIM]
    embs = jax.vmap(lambda t, idx: jnp.take(t, idx, axis=0), in_axes=(0, 1))(tables, sparse_features)
    embs = jnp.transpose(embs, (1, 0, 2))  # [B, NUM_SPARSE, DIM]
    # bottom MLP (out activation relu since sigmoid_bot=False)
    d = _mlp(dense_features, inp, 'bot_', len(LN_BOT) - 1, out_sigmoid=False)  # [B, DIM]
    # second-order interaction over sparse_emb_vecs + [dense_emb_vec]
    T = jnp.concatenate([embs, d[:, None, :]], axis=1)  # [B, 27, DIM]
    Z = jnp.einsum('bid,bjd->bij', T, T)  # [B, 27, 27]
    li, lj = np.tril_indices(NUM_SPARSE + 1, -1)
    inter = Z[:, li, lj]  # [B, 351] (no self-interaction)
    top_in = jnp.concatenate([d, inter], axis=1)  # [B, 383]
    pred = _mlp(top_in, inp, 'top_', len(LN_TOP) - 1, out_sigmoid=True)  # [B, 1]
    return jnp.reshape(pred, (-1,))

if __name__ == "__main__":
    import jax
    _d = setup_inputs()
    print(jax.jit(kernel)(*tuple(_d.values())))

</pallas_src>

<mosaic_0001>
#map = affine_map<(d0, d1) -> (0, 0)>
module attributes {stable_mosaic.version = 14 : i64} {
  func.func @_sc_gather_body(%arg0: i32, %arg1: i32, %arg2: memref<832x100000xf32, #tpu.memory_space<hbm>>, %arg3: memref<26x4096xi32, #tpu.memory_space<hbm>>, %arg4: memref<832x4096xf32, #tpu.memory_space<hbm>>, %arg5: memref<50048xf32, #tpu.memory_space<vmem>>, %arg6: memref<49952xf32, #tpu.memory_space<vmem>>, %arg7: memref<4096xi32, #tpu.memory_space<vmem>>, %arg8: memref<4096xi32, #tpu.memory_space<vmem>>, %arg9: memref<4096xf32, #tpu.memory_space<vmem>>, %arg10: memref<4096xf32, #tpu.memory_space<vmem>>, %arg11: memref<!tpu.dma_semaphore, #tpu.memory_space<semaphore_mem>>, %arg12: memref<!tpu.dma_semaphore, #tpu.memory_space<semaphore_mem>>, %arg13: memref<!tpu.dma_semaphore, #tpu.memory_space<semaphore_mem>>, %arg14: memref<!tpu.dma_semaphore, #tpu.memory_space<semaphore_mem>>) attributes {dimension_semantics = [#tpu.dimension_semantics<core_parallel>, #tpu.dimension_semantics<subcore_parallel>], iteration_bounds = array<i64: 2, 16>, scalar_prefetch = 0 : i64, scratch_operands = 10 : i64, tpu.core_type = #tpu.core_type<sc_vector_subcore>, window_params = [{transform_indices = #map}, {transform_indices = #map}, {transform_indices = #map}]} {
    %mul3A = arith.constant 2 : i32
    %mul3A_0 = arith.muli %arg1, %mul3A : i32
    %add3A = arith.addi %mul3A_0, %arg0 : i32
    %mul3A_1 = arith.constant 26 : i32
    %mul3A_2 = arith.muli %add3A, %mul3A_1 : i32
    %min3A = arith.constant 831 : i32
    %min3A_3 = arith.minsi %mul3A_2, %min3A : i32
    %jit3A = arith.constant 32 : i32
    %div3A = arith.divsi %min3A_3, %jit3A : i32
    %sign3A = arith.constant 0 : i32
    %sign3A_4 = arith.cmpi sgt, %min3A_3, %sign3A : i32
    %sign3A_5 = arith.extui %sign3A_4 : i1 to i32
    %sign3A_6 = arith.constant 0 : i32
    %sign3A_7 = arith.cmpi slt, %min3A_3, %sign3A_6 : i32
    %sign3A_8 = arith.extui %sign3A_7 : i1 to i32
    %sign3A_9 = arith.subi %sign3A_5, %sign3A_8 : i32
    %sign3A_10 = arith.constant 0 : i32
    %sign3A_11 = arith.cmpi sgt, %jit3A, %sign3A_10 : i32
    %sign3A_12 = arith.extui %sign3A_11 : i1 to i32
    %sign3A_13 = arith.constant 0 : i32
    %sign3A_14 = arith.cmpi slt, %jit3A, %sign3A_13 : i32
    %sign3A_15 = arith.extui %sign3A_14 : i1 to i32
    %sign3A_16 = arith.subi %sign3A_12, %sign3A_15 : i32
    %ne3A = arith.cmpi ne, %sign3A_9, %sign3A_16 : i32
    %rem3A = arith.remsi %min3A_3, %jit3A : i32
    %ne3A_17 = arith.constant 0 : i32
    %ne3A_18 = arith.cmpi ne, %rem3A, %ne3A_17 : i32
    %and3A = arith.andi %ne3A, %ne3A_18 : i1
    %sub3A = arith.constant 1 : i32
    %sub3A_19 = arith.subi %div3A, %sub3A : i32
    %select_n3A = arith.select %and3A, %sub3A_19, %div3A : i32
    %dma_start3A = arith.constant 0 : i32
    %dma_start3A_20 = tpu.memref_slice %arg3[%select_n3A, %dma_start3A] : memref<26x4096xi32, #tpu.memory_space<hbm>> -> memref<1x4096xi32, #tpu.memory_space<hbm>>
    %dma_start3A_21 = tpu.memref_squeeze %dma_start3A_20 : memref<1x4096xi32, #tpu.memory_space<hbm>> -> memref<4096xi32, #tpu.memory_space<hbm>>
    %dma_start3A_22 = arith.constant 0 : i32
    %dma_start3A_23 = tpu.memref_slice %arg3[%select_n3A, %dma_start3A_22] : memref<26x4096xi32, #tpu.memory_space<hbm>> -> memref<1x4096xi32, #tpu.memory_space<hbm>>
    %dma_start3A_24 = tpu.memref_squeeze %dma_start3A_23 : memref<1x4096xi32, #tpu.memory_space<hbm>> -> memref<4096xi32, #tpu.memory_space<hbm>>
    tpu.enqueue_dma source(%dma_start3A_24 : memref<4096xi32, #tpu.memory_space<hbm>>) target(%arg7 : memref<4096xi32, #tpu.memory_space<vmem>>) target_semaphore(%arg13 : memref<!tpu.dma_semaphore, #tpu.memory_space<semaphore_mem>>)
    %min3A_25 = arith.constant 831 : i32
    %min3A_26 = arith.minsi %mul3A_2, %min3A_25 : i32
    %dma_start3A_27 = arith.constant 0 : i32
    %dma_start3A_28 = tpu.memref_slice %arg2[%min3A_26, %dma_start3A_27] : memref<832x100000xf32, #tpu.memory_space<hbm>> -> memref<1x50048xf32, #tpu.memory_space<hbm>>
    %dma_start3A_29 = tpu.memref_squeeze %dma_start3A_28 : memref<1x50048xf32, #tpu.memory_space<hbm>> -> memref<50048xf32, #tpu.memory_space<hbm>>
    %dma_start3A_30 = arith.constant 0 : i32
    %dma_start3A_31 = tpu.memref_slice %arg2[%min3A_26, %dma_start3A_30] : memref<832x100000xf32, #tpu.memory_space<hbm>> -> memref<1x50048xf32, #tpu.memory_space<hbm>>
    %dma_start3A_32 = tpu.memref_squeeze %dma_start3A_31 : memref<1x50048xf32, #tpu.memory_space<hbm>> -> memref<50048xf32, #tpu.memory_space<hbm>>
    tpu.enqueue_dma source(%dma_start3A_32 : memref<50048xf32, #tpu.memory_space<hbm>>) target(%arg5 : memref<50048xf32, #tpu.memory_space<vmem>>) target_semaphore(%arg11 : memref<!tpu.dma_semaphore, #tpu.memory_space<semaphore_mem>>)
    %min3A_33 = arith.constant 831 : i32
    %min3A_34 = arith.minsi %mul3A_2, %min3A_33 : i32
    %dma_start3A_35 = arith.constant 50048 : i32
    %dma_start3A_36 = tpu.memref_slice %arg2[%min3A_34, %dma_start3A_35] : memref<832x100000xf32, #tpu.memory_space<hbm>> -> memref<1x49952xf32, #tpu.memory_space<hbm>>
    %dma_start3A_37 = tpu.memref_squeeze %dma_start3A_36 : memref<1x49952xf32, #tpu.memory_space<hbm>> -> memref<49952xf32, #tpu.memory_space<hbm>>
    %dma_start3A_38 = arith.constant 50048 : i32
    %dma_start3A_39 = tpu.memref_slice %arg2[%min3A_34, %dma_start3A_38] : memref<832x100000xf32, #tpu.memory_space<hbm>> -> memref<1x49952xf32, #tpu.memory_space<hbm>>
    %dma_start3A_40 = tpu.memref_squeeze %dma_start3A_39 : memref<1x49952xf32, #tpu.memory_space<hbm>> -> memref<49952xf32, #tpu.memory_space<hbm>>
    tpu.enqueue_dma source(%dma_start3A_40 : memref<49952xf32, #tpu.memory_space<hbm>>) target(%arg6 : memref<49952xf32, #tpu.memory_space<vmem>>) target_semaphore(%arg12 : memref<!tpu.dma_semaphore, #tpu.memory_space<semaphore_mem>>)
    %scan3A = arith.constant 0 : i32
    %scan3A_41 = arith.constant 0 : i32
    %scan3A_42 = arith.constant 13 : i32
    %scan3A_43 = arith.addi %scan3A_41, %scan3A_42 : i32
    %scan3A_44 = arith.constant 1 : i32
    %scan3A_45 = scf.for %scan3A_81 = %scan3A_41 to %scan3A_43 step %scan3A_44 iter_args(%scan3A_82 = %scan3A) -> (i32)  : i32 {
      %mul3A_83 = arith.constant 2 : i32
      %mul3A_84 = arith.muli %mul3A_83, %scan3A_81 : i32
      %add3A_85 = arith.addi %mul3A_2, %mul3A_84 : i32
      %eq3A = arith.constant 0 : i32
      %eq3A_86 = arith.cmpi eq, %scan3A_81, %eq3A : i32
      %dma_wait3A_87 = arith.constant 0 : i32
      %dma_wait3A_88 = arith.constant 0 : i32
      %dma_wait3A_89 = tpu.memref_slice %arg3[%dma_wait3A_87, %dma_wait3A_88] : memref<26x4096xi32, #tpu.memory_space<hbm>> -> memref<1x4096xi32, #tpu.memory_space<hbm>>
      %dma_wait3A_90 = tpu.memref_squeeze %dma_wait3A_89 : memref<1x4096xi32, #tpu.memory_space<hbm>> -> memref<4096xi32, #tpu.memory_space<hbm>>
      %dma_wait3A_91 = arith.constant 0 : i32
      %dma_wait3A_92 = tpu.memref_slice %arg3[%dma_wait3A_87, %dma_wait3A_91] : memref<26x4096xi32, #tpu.memory_space<hbm>> -> memref<1x4096xi32, #tpu.memory_space<hbm>>
      %dma_wait3A_93 = tpu.memref_squeeze %dma_wait3A_92 : memref<1x4096xi32, #tpu.memory_space<hbm>> -> memref<4096xi32, #tpu.memory_space<hbm>>
      tpu.wait_dma2 semaphore(%arg13 : memref<!tpu.dma_semaphore, #tpu.memory_space<semaphore_mem>>) src(%dma_wait3A_93 : memref<4096xi32, #tpu.memory_space<hbm>>) dst(%arg7 : memref<4096xi32, #tpu.memory_space<vmem>>)
      %add3A_94 = arith.constant 1 : i32
      %add3A_95 = arith.addi %add3A_85, %add3A_94 : i32
      %min3A_96 = arith.constant 831 : i32
      %min3A_97 = arith.minsi %add3A_95, %min3A_96 : i32
      %jit3A_98 = arith.constant 32 : i32
      %div3A_99 = arith.divsi %min3A_97, %jit3A_98 : i32
      %sign3A_100 = arith.constant 0 : i32
      %sign3A_101 = arith.cmpi sgt, %min3A_97, %sign3A_100 : i32
      %sign3A_102 = arith.extui %sign3A_101 : i1 to i32
      %sign3A_103 = arith.constant 0 : i32
      %sign3A_104 = arith.cmpi slt, %min3A_97, %sign3A_103 : i32
      %sign3A_105 = arith.extui %sign3A_104 : i1 to i32
      %sign3A_106 = arith.subi %sign3A_102, %sign3A_105 : i32
      %sign3A_107 = arith.constant 0 : i32
      %sign3A_108 = arith.cmpi sgt, %jit3A_98, %sign3A_107 : i32
      %sign3A_109 = arith.extui %sign3A_108 : i1 to i32
      %sign3A_110 = arith.constant 0 : i32
      %sign3A_111 = arith.cmpi slt, %jit3A_98, %sign3A_110 : i32
      %sign3A_112 = arith.extui %sign3A_111 : i1 to i32
      %sign3A_113 = arith.subi %sign3A_109, %sign3A_112 : i32
      %ne3A_114 = arith.cmpi ne, %sign3A_106, %sign3A_113 : i32
      %rem3A_115 = arith.remsi %min3A_97, %jit3A_98 : i32
      %ne3A_116 = arith.constant 0 : i32
      %ne3A_117 = arith.cmpi ne, %rem3A_115, %ne3A_116 : i32
      %and3A_118 = arith.andi %ne3A_114, %ne3A_117 : i1
      %sub3A_119 = arith.constant 1 : i32
      %sub3A_120 = arith.subi %div3A_99, %sub3A_119 : i32
      %select_n3A_121 = arith.select %and3A_118, %sub3A_120, %div3A_99 : i32
      %dma_start3A_122 = arith.constant 0 : i32
      %dma_start3A_123 = tpu.memref_slice %arg3[%select_n3A_121, %dma_start3A_122] : memref<26x4096xi32, #tpu.memory_space<hbm>> -> memref<1x4096xi32, #tpu.memory_space<hbm>>
      %dma_start3A_124 = tpu.memref_squeeze %dma_start3A_123 : memref<1x4096xi32, #tpu.memory_space<hbm>> -> memref<4096xi32, #tpu.memory_space<hbm>>
      %dma_start3A_125 = arith.constant 0 : i32
      %dma_start3A_126 = tpu.memref_slice %arg3[%select_n3A_121, %dma_start3A_125] : memref<26x4096xi32, #tpu.memory_space<hbm>> -> memref<1x4096xi32, #tpu.memory_space<hbm>>
      %dma_start3A_127 = tpu.memref_squeeze %dma_start3A_126 : memref<1x4096xi32, #tpu.memory_space<hbm>> -> memref<4096xi32, #tpu.memory_space<hbm>>
      tpu.enqueue_dma source(%dma_start3A_127 : memref<4096xi32, #tpu.memory_space<hbm>>) target(%arg8 : memref<4096xi32, #tpu.memory_space<vmem>>) target_semaphore(%arg13 : memref<!tpu.dma_semaphore, #tpu.memory_space<semaphore_mem>>)
      %not3A = arith.constant true
      %not3A_128 = arith.xori %eq3A_86, %not3A : i1
      %convert_element_type3A = arith.extui %not3A_128 : i1 to i32
      %cond3A = arith.constant 0 : i32
      %cond3A_129 = arith.cmpi ne, %convert_element_type3A, %cond3A : i32
      scf.if %cond3A_129 {
        %dma_wait3A_289 = arith.constant 0 : i32
        %dma_wait3A_290 = arith.constant 0 : i32
        %dma_wait3A_291 = tpu.memref_slice %arg4[%dma_wait3A_289, %dma_wait3A_290] : memref<832x4096xf32, #tpu.memory_space<hbm>> -> memref<1x4096xf32, #tpu.memory_space<hbm>>
        %dma_wait3A_292 = tpu.memref_squeeze %dma_wait3A_291 : memref<1x4096xf32, #tpu.memory_space<hbm>> -> memref<4096xf32, #tpu.memory_space<hbm>>
        %dma_wait3A_293 = arith.constant 0 : i32
        %dma_wait3A_294 = tpu.memref_slice %arg4[%dma_wait3A_289, %dma_wait3A_293] : memref<832x4096xf32, #tpu.memory_space<hbm>> -> memref<1x4096xf32, #tpu.memory_space<hbm>>
        %dma_wait3A_295 = tpu.memref_squeeze %dma_wait3A_294 : memref<1x4096xf32, #tpu.memory_space<hbm>> -> memref<4096xf32, #tpu.memory_space<hbm>>
        tpu.wait_dma2 semaphore(%arg14 : memref<!tpu.dma_semaphore, #tpu.memory_space<semaphore_mem>>) src(%arg9 : memref<4096xf32, #tpu.memory_space<vmem>>) dst(%dma_wait3A_295 : memref<4096xf32, #tpu.memory_space<hbm>>)
      } else {
      }
      %dma_wait3A_130 = arith.constant 0 : i32
      %dma_wait3A_131 = arith.constant 0 : i32
      %dma_wait3A_132 = tpu.memref_slice %arg2[%dma_wait3A_130, %dma_wait3A_131] : memref<832x100000xf32, #tpu.memory_space<hbm>> -> memref<1x50048xf32, #tpu.memory_space<hbm>>
      %dma_wait3A_133 = tpu.memref_squeeze %dma_wait3A_132 : memref<1x50048xf32, #tpu.memory_space<hbm>> -> memref<50048xf32, #tpu.memory_space<hbm>>
      %dma_wait3A_134 = arith.constant 0 : i32
      %dma_wait3A_135 = tpu.memref_slice %arg2[%dma_wait3A_130, %dma_wait3A_134] : memref<832x100000xf32, #tpu.memory_space<hbm>> -> memref<1x50048xf32, #tpu.memory_space<hbm>>
      %dma_wait3A_136 = tpu.memref_squeeze %dma_wait3A_135 : memref<1x50048xf32, #tpu.memory_space<hbm>> -> memref<50048xf32, #tpu.memory_space<hbm>>
      tpu.wait_dma2 semaphore(%arg11 : memref<!tpu.dma_semaphore, #tpu.memory_space<semaphore_mem>>) src(%dma_wait3A_136 : memref<50048xf32, #tpu.memory_space<hbm>>) dst(%arg5 : memref<50048xf32, #tpu.memory_space<vmem>>)
      %scan3A_137 = arith.constant 0 : i32
      %scan3A_138 = arith.constant 0 : i32
      %scan3A_139 = arith.constant 256 : i32
      %scan3A_140 = arith.addi %scan3A_138, %scan3A_139 : i32
      %scan3A_141 = arith.constant 1 : i32
      %scan3A_142 = scf.for %scan3A_289 = %scan3A_138 to %scan3A_140 step %scan3A_141 iter_args(%scan3A_290 = %scan3A_137) -> (i32)  : i32 {
        %mul3A_291 = arith.constant 16 : i32
        %mul3A_292 = arith.muli %scan3A_289, %mul3A_291 : i32
        %get3A = arith.index_cast %mul3A_292 : i32 to index
        %get3A_293 = tpu.vector_load %arg7[%get3A] {strides = array<i32>} : memref<4096xi32, #tpu.memory_space<vmem>>, vector<16xi32>,
        %min3A_294 = arith.constant 50047 : i32
        %min3A_295 = vector.broadcast %min3A_294 : i32 to vector<16xi32>
        %min3A_296 = arith.minsi %get3A_293, %min3A_295 : vector<16xi32>
        %gather3A = tpu.vector_load_idx %arg5[%min3A_296] : memref<50048xf32, #tpu.memory_space<vmem>>[vector<16xi32>], vector<16xf32>,
        %mul3A_297 = arith.constant 16 : i32
        %mul3A_298 = arith.muli %scan3A_289, %mul3A_297 : i32
        %swap3A = arith.index_cast %mul3A_298 : i32 to index
        %swap3A_299 = tpu.vector_load %arg9[%swap3A] {strides = array<i32>} : memref<4096xf32, #tpu.memory_space<vmem>>, vector<16xf32>,
        tpu.vector_store %arg9[%swap3A], %gather3A {strides = array<i32>} : memref<4096xf32, #tpu.memory_space<vmem>>, vector<16xf32>,
        %scan3A_300 = arith.constant 0 : i32
        scf.yield %scan3A_300 : i32
      }
      %scan3A_143 = arith.constant 256 : i32
      %add3A_144 = arith.constant 1 : i32
      %add3A_145 = arith.addi %add3A_85, %add3A_144 : i32
      %min3A_146 = arith.constant 831 : i32
      %min3A_147 = arith.minsi %add3A_145, %min3A_146 : i32
      %dma_start3A_148 = arith.constant 0 : i32
      %dma_start3A_149 = tpu.memref_slice %arg2[%min3A_147, %dma_start3A_148] : memref<832x100000xf32, #tpu.memory_space<hbm>> -> memref<1x50048xf32, #tpu.memory_space<hbm>>
      %dma_start3A_150 = tpu.memref_squeeze %dma_start3A_149 : memref<1x50048xf32, #tpu.memory_space<hbm>> -> memref<50048xf32, #tpu.memory_space<hbm>>
      %dma_start3A_151 = arith.constant 0 : i32
      %dma_start3A_152 = tpu.memref_slice %arg2[%min3A_147, %dma_start3A_151] : memref<832x100000xf32, #tpu.memory_space<hbm>> -> memref<1x50048xf32, #tpu.memory_space<hbm>>
      %dma_start3A_153 = tpu.memref_squeeze %dma_start3A_152 : memref<1x50048xf32, #tpu.memory_space<hbm>> -> memref<50048xf32, #tpu.memory_space<hbm>>
      tpu.enqueue_dma source(%dma_start3A_153 : memref<50048xf32, #tpu.memory_space<hbm>>) target(%arg5 : memref<50048xf32, #tpu.memory_space<vmem>>) target_semaphore(%arg11 : memref<!tpu.dma_semaphore, #tpu.memory_space<semaphore_mem>>)
      %dma_wait3A_154 = arith.constant 0 : i32
      %dma_wait3A_155 = arith.constant 50048 : i32
      %dma_wait3A_156 = tpu.memref_slice %arg2[%dma_wait3A_154, %dma_wait3A_155] : memref<832x100000xf32, #tpu.memory_space<hbm>> -> memref<1x49952xf32, #tpu.memory_space<hbm>>
      %dma_wait3A_157 = tpu.memref_squeeze %dma_wait3A_156 : memref<1x49952xf32, #tpu.memory_space<hbm>> -> memref<49952xf32, #tpu.memory_space<hbm>>
      %dma_wait3A_158 = arith.constant 50048 : i32
      %dma_wait3A_159 = tpu.memref_slice %arg2[%dma_wait3A_154, %dma_wait3A_158] : memref<832x100000xf32, #tpu.memory_space<hbm>> -> memref<1x49952xf32, #tpu.memory_space<hbm>>
      %dma_wait3A_160 = tpu.memref_squeeze %dma_wait3A_159 : memref<1x49952xf32, #tpu.memory_space<hbm>> -> memref<49952xf32, #tpu.memory_space<hbm>>
      tpu.wait_dma2 semaphore(%arg12 : memref<!tpu.dma_semaphore, #tpu.memory_space<semaphore_mem>>) src(%dma_wait3A_160 : memref<49952xf32, #tpu.memory_space<hbm>>) dst(%arg6 : memref<49952xf32, #tpu.memory_space<vmem>>)
      %scan3A_161 = arith.constant 0 : i32
      %scan3A_162 = arith.constant 0 : i32
      %scan3A_163 = arith.constant 256 : i32
      %scan3A_164 = arith.addi %scan3A_162, %scan3A_163 : i32
      %scan3A_165 = arith.constant 1 : i32
      %scan3A_166 = scf.for %scan3A_289 = %scan3A_162 to %scan3A_164 step %scan3A_165 iter_args(%scan3A_290 = %scan3A_161) -> (i32)  : i32 {
        %mul3A_291 = arith.constant 16 : i32
        %mul3A_292 = arith.muli %scan3A_289, %mul3A_291 : i32
        %get3A = arith.index_cast %mul3A_292 : i32 to index
        %get3A_293 = tpu.vector_load %arg7[%get3A] {strides = array<i32>} : memref<4096xi32, #tpu.memory_space<vmem>>, vector<16xi32>,
        %sub3A_294 = arith.constant 50048 : i32
        %sub3A_295 = vector.broadcast %sub3A_294 : i32 to vector<16xi32>
        %sub3A_296 = arith.subi %get3A_293, %sub3A_295 : vector<16xi32>
        %max3A = arith.constant 0 : i32
        %max3A_297 = vector.broadcast %max3A : i32 to vector<16xi32>
        %max3A_298 = arith.maxsi %sub3A_296, %max3A_297 : vector<16xi32>
        %gather3A = tpu.vector_load_idx %arg6[%max3A_298] : memref<49952xf32, #tpu.memory_space<vmem>>[vector<16xi32>], vector<16xf32>,
        %mul3A_299 = arith.constant 16 : i32
        %mul3A_300 = arith.muli %scan3A_289, %mul3A_299 : i32
        %get3A_301 = arith.index_cast %mul3A_300 : i32 to index
        %get3A_302 = tpu.vector_load %arg9[%get3A_301] {strides = array<i32>} : memref<4096xf32, #tpu.memory_space<vmem>>, vector<16xf32>,
        %ge3A = arith.constant 50048 : i32
        %ge3A_303 = vector.broadcast %ge3A : i32 to vector<16xi32>
        %ge3A_304 = arith.cmpi sge, %get3A_293, %ge3A_303 : vector<16xi32>
        %select_n3A_305 = arith.select %ge3A_304, %gather3A, %get3A_302 : vector<16xi1>, vector<16xf32>
        %mul3A_306 = arith.constant 16 : i32
        %mul3A_307 = arith.muli %scan3A_289, %mul3A_306 : i32
        %swap3A = arith.index_cast %mul3A_307 : i32 to index
        %swap3A_308 = tpu.vector_load %arg9[%swap3A] {strides = array<i32>} : memref<4096xf32, #tpu.memory_space<vmem>>, vector<16xf32>,
        tpu.vector_store %arg9[%swap3A], %select_n3A_305 {strides = array<i32>} : memref<4096xf32, #tpu.memory_space<vmem>>, vector<16xf32>,
        %scan3A_309 = arith.constant 0 : i32
        scf.yield %scan3A_309 : i32
      }
      %scan3A_167 = arith.constant 256 : i32
      %add3A_168 = arith.constant 1 : i32
      %add3A_169 = arith.addi %add3A_85, %add3A_168 : i32
      %min3A_170 = arith.constant 831 : i32
      %min3A_171 = arith.minsi %add3A_169, %min3A_170 : i32
      %dma_start3A_172 = arith.constant 50048 : i32
      %dma_start3A_173 = tpu.memref_slice %arg2[%min3A_171, %dma_start3A_172] : memref<832x100000xf32, #tpu.memory_space<hbm>> -> memref<1x49952xf32, #tpu.memory_space<hbm>>
      %dma_start3A_174 = tpu.memref_squeeze %dma_start3A_173 : memref<1x49952xf32, #tpu.memory_space<hbm>> -> memref<49952xf32, #tpu.memory_space<hbm>>
      %dma_start3A_175 = arith.constant 50048 : i32
      %dma_start3A_176 = tpu.memref_slice %arg2[%min3A_171, %dma_start3A_175] : memref<832x100000xf32, #tpu.memory_space<hbm>> -> memref<1x49952xf32, #tpu.memory_space<hbm>>
      %dma_start3A_177 = tpu.memref_squeeze %dma_start3A_176 : memref<1x49952xf32, #tpu.memory_space<hbm>> -> memref<49952xf32, #tpu.memory_space<hbm>>
      tpu.enqueue_dma source(%dma_start3A_177 : memref<49952xf32, #tpu.memory_space<hbm>>) target(%arg6 : memref<49952xf32, #tpu.memory_space<vmem>>) target_semaphore(%arg12 : memref<!tpu.dma_semaphore, #tpu.memory_space<semaphore_mem>>)
      %dma_start3A_178 = arith.constant 0 : i32
      %dma_start3A_179 = tpu.memref_slice %arg4[%add3A_85, %dma_start3A_178] : memref<832x4096xf32, #tpu.memory_space<hbm>> -> memref<1x4096xf32, #tpu.memory_space<hbm>>
      %dma_start3A_180 = tpu.memref_squeeze %dma_start3A_179 : memref<1x4096xf32, #tpu.memory_space<hbm>> -> memref<4096xf32, #tpu.memory_space<hbm>>
      %dma_start3A_181 = arith.constant 0 : i32
      %dma_start3A_182 = tpu.memref_slice %arg4[%add3A_85, %dma_start3A_181] : memref<832x4096xf32, #tpu.memory_space<hbm>> -> memref<1x4096xf32, #tpu.memory_space<hbm>>
      %dma_start3A_183 = tpu.memref_squeeze %dma_start3A_182 : memref<1x4096xf32, #tpu.memory_space<hbm>> -> memref<4096xf32, #tpu.memory_space<hbm>>
      tpu.enqueue_dma source(%arg9 : memref<4096xf32, #tpu.memory_space<vmem>>) target(%dma_start3A_183 : memref<4096xf32, #tpu.memory_space<hbm>>) target_semaphore(%arg14 : memref<!tpu.dma_semaphore, #tpu.memory_space<semaphore_mem>>)
      %add3A_184 = arith.constant 1 : i32
      %add3A_185 = arith.addi %add3A_85, %add3A_184 : i32
      %eq3A_186 = arith.constant 0 : i32
      %eq3A_187 = arith.cmpi eq, %scan3A_81, %eq3A_186 : i32
      %dma_wait3A_188 = arith.constant 0 : i32
      %dma_wait3A_189 = arith.constant 0 : i32
      %dma_wait3A_190 = tpu.memref_slice %arg3[%dma_wait3A_188, %dma_wait3A_189] : memref<26x4096xi32, #tpu.memory_space<hbm>> -> memref<1x4096xi32, #tpu.memory_space<hbm>>
      %dma_wait3A_191 = tpu.memref_squeeze %dma_wait3A_190 : memref<1x4096xi32, #tpu.memory_space<hbm>> -> memref<4096xi32, #tpu.memory_space<hbm>>
      %dma_wait3A_192 = arith.constant 0 : i32
      %dma_wait3A_193 = tpu.memref_slice %arg3[%dma_wait3A_188, %dma_wait3A_192] : memref<26x4096xi32, #tpu.memory_space<hbm>> -> memref<1x4096xi32, #tpu.memory_space<hbm>>
      %dma_wait3A_194 = tpu.memref_squeeze %dma_wait3A_193 : memref<1x4096xi32, #tpu.memory_space<hbm>> -> memref<4096xi32, #tpu.memory_space<hbm>>
      tpu.wait_dma2 semaphore(%arg13 : memref<!tpu.dma_semaphore, #tpu.memory_space<semaphore_mem>>) src(%dma_wait3A_194 : memref<4096xi32, #tpu.memory_space<hbm>>) dst(%arg8 : memref<4096xi32, #tpu.memory_space<vmem>>)
      %add3A_195 = arith.constant 1 : i32
      %add3A_196 = arith.addi %add3A_185, %add3A_195 : i32
      %min3A_197 = arith.constant 831 : i32
      %min3A_198 = arith.minsi %add3A_196, %min3A_197 : i32
      %jit3A_199 = arith.constant 32 : i32
      %div3A_200 = arith.divsi %min3A_198, %jit3A_199 : i32
      %sign3A_201 = arith.constant 0 : i32
      %sign3A_202 = arith.cmpi sgt, %min3A_198, %sign3A_201 : i32
      %sign3A_203 = arith.extui %sign3A_202 : i1 to i32
      %sign3A_204 = arith.constant 0 : i32
      %sign3A_205 = arith.cmpi slt, %min3A_198, %sign3A_204 : i32
      %sign3A_206 = arith.extui %sign3A_205 : i1 to i32
      %sign3A_207 = arith.subi %sign3A_203, %sign3A_206 : i32
      %sign3A_208 = arith.constant 0 : i32
      %sign3A_209 = arith.cmpi sgt, %jit3A_199, %sign3A_208 : i32
      %sign3A_210 = arith.extui %sign3A_209 : i1 to i32
      %sign3A_211 = arith.constant 0 : i32
      %sign3A_212 = arith.cmpi slt, %jit3A_199, %sign3A_211 : i32
      %sign3A_213 = arith.extui %sign3A_212 : i1 to i32
      %sign3A_214 = arith.subi %sign3A_210, %sign3A_213 : i32
      %ne3A_215 = arith.cmpi ne, %sign3A_207, %sign3A_214 : i32
      %rem3A_216 = arith.remsi %min3A_198, %jit3A_199 : i32
      %ne3A_217 = arith.constant 0 : i32
      %ne3A_218 = arith.cmpi ne, %rem3A_216, %ne3A_217 : i32
      %and3A_219 = arith.andi %ne3A_215, %ne3A_218 : i1
      %sub3A_220 = arith.constant 1 : i32
      %sub3A_221 = arith.subi %div3A_200, %sub3A_220 : i32
      %select_n3A_222 = arith.select %and3A_219, %sub3A_221, %div3A_200 : i32
      %dma_start3A_223 = arith.constant 0 : i32
      %dma_start3A_224 = tpu.memref_slice %arg3[%select_n3A_222, %dma_start3A_223] : memref<26x4096xi32, #tpu.memory_space<hbm>> -> memref<1x4096xi32, #tpu.memory_space<hbm>>
      %dma_start3A_225 = tpu.memref_squeeze %dma_start3A_224 : memref<1x4096xi32, #tpu.memory_space<hbm>> -> memref<4096xi32, #tpu.memory_space<hbm>>
      %dma_start3A_226 = arith.constant 0 : i32
      %dma_start3A_227 = tpu.memref_slice %arg3[%select_n3A_222, %dma_start3A_226] : memref<26x4096xi32, #tpu.memory_space<hbm>> -> memref<1x4096xi32, #tpu.memory_space<hbm>>
      %dma_start3A_228 = tpu.memref_squeeze %dma_start3A_227 : memref<1x4096xi32, #tpu.memory_space<hbm>> -> memref<4096xi32, #tpu.memory_space<hbm>>
      tpu.enqueue_dma source(%dma_start3A_228 : memref<4096xi32, #tpu.memory_space<hbm>>) target(%arg7 : memref<4096xi32, #tpu.memory_space<vmem>>) target_semaphore(%arg13 : memref<!tpu.dma_semaphore, #tpu.memory_space<semaphore_mem>>)
      %not3A_229 = arith.constant true
      %not3A_230 = arith.xori %eq3A_187, %not3A_229 : i1
      %convert_element_type3A_231 = arith.extui %not3A_230 : i1 to i32
      %cond3A_232 = arith.constant 0 : i32
      %cond3A_233 = arith.cmpi ne, %convert_element_type3A_231, %cond3A_232 : i32
      scf.if %cond3A_233 {
        %dma_wait3A_289 = arith.constant 0 : i32
        %dma_wait3A_290 = arith.constant 0 : i32
        %dma_wait3A_291 = tpu.memref_slice %arg4[%dma_wait3A_289, %dma_wait3A_290] : memref<832x4096xf32, #tpu.memory_space<hbm>> -> memref<1x4096xf32, #tpu.memory_space<hbm>>
        %dma_wait3A_292 = tpu.memref_squeeze %dma_wait3A_291 : memref<1x4096xf32, #tpu.memory_space<hbm>> -> memref<4096xf32, #tpu.memory_space<hbm>>
        %dma_wait3A_293 = arith.constant 0 : i32
        %dma_wait3A_294 = tpu.memref_slice %arg4[%dma_wait3A_289, %dma_wait3A_293] : memref<832x4096xf32, #tpu.memory_space<hbm>> -> memref<1x4096xf32, #tpu.memory_space<hbm>>
        %dma_wait3A_295 = tpu.memref_squeeze %dma_wait3A_294 : memref<1x4096xf32, #tpu.memory_space<hbm>> -> memref<4096xf32, #tpu.memory_space<hbm>>
        tpu.wait_dma2 semaphore(%arg14 : memref<!tpu.dma_semaphore, #tpu.memory_space<semaphore_mem>>) src(%arg10 : memref<4096xf32, #tpu.memory_space<vmem>>) dst(%dma_wait3A_295 : memref<4096xf32, #tpu.memory_space<hbm>>)
      } else {
      }
      %dma_wait3A_234 = arith.constant 0 : i32
      %dma_wait3A_235 = arith.constant 0 : i32
      %dma_wait3A_236 = tpu.memref_slice %arg2[%dma_wait3A_234, %dma_wait3A_235] : memref<832x100000xf32, #tpu.memory_space<hbm>> -> memref<1x50048xf32, #tpu.memory_space<hbm>>
      %dma_wait3A_237 = tpu.memref_squeeze %dma_wait3A_236 : memref<1x50048xf32, #tpu.memory_space<hbm>> -> memref<50048xf32, #tpu.memory_space<hbm>>
      %dma_wait3A_238 = arith.constant 0 : i32
      %dma_wait3A_239 = tpu.memref_slice %arg2[%dma_wait3A_234, %dma_wait3A_238] : memref<832x100000xf32, #tpu.memory_space<hbm>> -> memref<1x50048xf32, #tpu.memory_space<hbm>>
      %dma_wait3A_240 = tpu.memref_squeeze %dma_wait3A_239 : memref<1x50048xf32, #tpu.memory_space<hbm>> -> memref<50048xf32, #tpu.memory_space<hbm>>
      tpu.wait_dma2 semaphore(%arg11 : memref<!tpu.dma_semaphore, #tpu.memory_space<semaphore_mem>>) src(%dma_wait3A_240 : memref<50048xf32, #tpu.memory_space<hbm>>) dst(%arg5 : memref<50048xf32, #tpu.memory_space<vmem>>)
      %scan3A_241 = arith.constant 0 : i32
      %scan3A_242 = arith.constant 0 : i32
      %scan3A_243 = arith.constant 256 : i32
      %scan3A_244 = arith.addi %scan3A_242, %scan3A_243 : i32
      %scan3A_245 = arith.constant 1 : i32
      %scan3A_246 = scf.for %scan3A_289 = %scan3A_242 to %scan3A_244 step %scan3A_245 iter_args(%scan3A_290 = %scan3A_241) -> (i32)  : i32 {
        %mul3A_291 = arith.constant 16 : i32
        %mul3A_292 = arith.muli %scan3A_289, %mul3A_291 : i32
        %get3A = arith.index_cast %mul3A_292 : i32 to index
        %get3A_293 = tpu.vector_load %arg8[%get3A] {strides = array<i32>} : memref<4096xi32, #tpu.memory_space<vmem>>, vector<16xi32>,
        %min3A_294 = arith.constant 50047 : i32
        %min3A_295 = vector.broadcast %min3A_294 : i32 to vector<16xi32>
        %min3A_296 = arith.minsi %get3A_293, %min3A_295 : vector<16xi32>
        %gather3A = tpu.vector_load_idx %arg5[%min3A_296] : memref<50048xf32, #tpu.memory_space<vmem>>[vector<16xi32>], vector<16xf32>,
        %mul3A_297 = arith.constant 16 : i32
        %mul3A_298 = arith.muli %scan3A_289, %mul3A_297 : i32
        %swap3A = arith.index_cast %mul3A_298 : i32 to index
        %swap3A_299 = tpu.vector_load %arg10[%swap3A] {strides = array<i32>} : memref<4096xf32, #tpu.memory_space<vmem>>, vector<16xf32>,
        tpu.vector_store %arg10[%swap3A], %gather3A {strides = array<i32>} : memref<4096xf32, #tpu.memory_space<vmem>>, vector<16xf32>,
        %scan3A_300 = arith.constant 0 : i32
        scf.yield %scan3A_300 : i32
      }
      %scan3A_247 = arith.constant 256 : i32
      %add3A_248 = arith.constant 1 : i32
      %add3A_249 = arith.addi %add3A_185, %add3A_248 : i32
      %min3A_250 = arith.constant 831 : i32
      %min3A_251 = arith.minsi %add3A_249, %min3A_250 : i32
      %dma_start3A_252 = arith.constant 0 : i32
      %dma_start3A_253 = tpu.memref_slice %arg2[%min3A_251, %dma_start3A_252] : memref<832x100000xf32, #tpu.memory_space<hbm>> -> memref<1x50048xf32, #tpu.memory_space<hbm>>
      %dma_start3A_254 = tpu.memref_squeeze %dma_start3A_253 : memref<1x50048xf32, #tpu.memory_space<hbm>> -> memref<50048xf32, #tpu.memory_space<hbm>>
      %dma_start3A_255 = arith.constant 0 : i32
      %dma_start3A_256 = tpu.memref_slice %arg2[%min3A_251, %dma_start3A_255] : memref<832x100000xf32, #tpu.memory_space<hbm>> -> memref<1x50048xf32, #tpu.memory_space<hbm>>
      %dma_start3A_257 = tpu.memref_squeeze %dma_start3A_256 : memref<1x50048xf32, #tpu.memory_space<hbm>> -> memref<50048xf32, #tpu.memory_space<hbm>>
      tpu.enqueue_dma source(%dma_start3A_257 : memref<50048xf32, #tpu.memory_space<hbm>>) target(%arg5 : memref<50048xf32, #tpu.memory_space<vmem>>) target_semaphore(%arg11 : memref<!tpu.dma_semaphore, #tpu.memory_space<semaphore_mem>>)
      %dma_wait3A_258 = arith.constant 0 : i32
      %dma_wait3A_259 = arith.constant 50048 : i32
      %dma_wait3A_260 = tpu.memref_slice %arg2[%dma_wait3A_258, %dma_wait3A_259] : memref<832x100000xf32, #tpu.memory_space<hbm>> -> memref<1x49952xf32, #tpu.memory_space<hbm>>
      %dma_wait3A_261 = tpu.memref_squeeze %dma_wait3A_260 : memref<1x49952xf32, #tpu.memory_space<hbm>> -> memref<49952xf32, #tpu.memory_space<hbm>>
      %dma_wait3A_262 = arith.constant 50048 : i32
      %dma_wait3A_263 = tpu.memref_slice %arg2[%dma_wait3A_258, %dma_wait3A_262] : memref<832x100000xf32, #tpu.memory_space<hbm>> -> memref<1x49952xf32, #tpu.memory_space<hbm>>
      %dma_wait3A_264 = tpu.memref_squeeze %dma_wait3A_263 : memref<1x49952xf32, #tpu.memory_space<hbm>> -> memref<49952xf32, #tpu.memory_space<hbm>>
      tpu.wait_dma2 semaphore(%arg12 : memref<!tpu.dma_semaphore, #tpu.memory_space<semaphore_mem>>) src(%dma_wait3A_264 : memref<49952xf32, #tpu.memory_space<hbm>>) dst(%arg6 : memref<49952xf32, #tpu.memory_space<vmem>>)
      %scan3A_265 = arith.constant 0 : i32
      %scan3A_266 = arith.constant 0 : i32
      %scan3A_267 = arith.constant 256 : i32
      %scan3A_268 = arith.addi %scan3A_266, %scan3A_267 : i32
      %scan3A_269 = arith.constant 1 : i32
      %scan3A_270 = scf.for %scan3A_289 = %scan3A_266 to %scan3A_268 step %scan3A_269 iter_args(%scan3A_290 = %scan3A_265) -> (i32)  : i32 {
        %mul3A_291 = arith.constant 16 : i32
        %mul3A_292 = arith.muli %scan3A_289, %mul3A_291 : i32
        %get3A = arith.index_cast %mul3A_292 : i32 to index
        %get3A_293 = tpu.vector_load %arg8[%get3A] {strides = array<i32>} : memref<4096xi32, #tpu.memory_space<vmem>>, vector<16xi32>,
        %sub3A_294 = arith.constant 50048 : i32
        %sub3A_295 = vector.broadcast %sub3A_294 : i32 to vector<16xi32>
        %sub3A_296 = arith.subi %get3A_293, %sub3A_295 : vector<16xi32>
        %max3A = arith.constant 0 : i32
        %max3A_297 = vector.broadcast %max3A : i32 to vector<16xi32>
        %max3A_298 = arith.maxsi %sub3A_296, %max3A_297 : vector<16xi32>
        %gather3A = tpu.vector_load_idx %arg6[%max3A_298] : memref<49952xf32, #tpu.memory_space<vmem>>[vector<16xi32>], vector<16xf32>,
        %mul3A_299 = arith.constant 16 : i32
        %mul3A_300 = arith.muli %scan3A_289, %mul3A_299 : i32
        %get3A_301 = arith.index_cast %mul3A_300 : i32 to index
        %get3A_302 = tpu.vector_load %arg10[%get3A_301] {strides = array<i32>} : memref<4096xf32, #tpu.memory_space<vmem>>, vector<16xf32>,
        %ge3A = arith.constant 50048 : i32
        %ge3A_303 = vector.broadcast %ge3A : i32 to vector<16xi32>
        %ge3A_304 = arith.cmpi sge, %get3A_293, %ge3A_303 : vector<16xi32>
        %select_n3A_305 = arith.select %ge3A_304, %gather3A, %get3A_302 : vector<16xi1>, vector<16xf32>
        %mul3A_306 = arith.constant 16 : i32
        %mul3A_307 = arith.muli %scan3A_289, %mul3A_306 : i32
        %swap3A = arith.index_cast %mul3A_307 : i32 to index
        %swap3A_308 = tpu.vector_load %arg10[%swap3A] {strides = array<i32>} : memref<4096xf32, #tpu.memory_space<vmem>>, vector<16xf32>,
        tpu.vector_store %arg10[%swap3A], %select_n3A_305 {strides = array<i32>} : memref<4096xf32, #tpu.memory_space<vmem>>, vector<16xf32>,
        %scan3A_309 = arith.constant 0 : i32
        scf.yield %scan3A_309 : i32
      }
      %scan3A_271 = arith.constant 256 : i32
      %add3A_272 = arith.constant 1 : i32
      %add3A_273 = arith.addi %add3A_185, %add3A_272 : i32
      %min3A_274 = arith.constant 831 : i32
      %min3A_275 = arith.minsi %add3A_273, %min3A_274 : i32
      %dma_start3A_276 = arith.constant 50048 : i32
      %dma_start3A_277 = tpu.memref_slice %arg2[%min3A_275, %dma_start3A_276] : memref<832x100000xf32, #tpu.memory_space<hbm>> -> memref<1x49952xf32, #tpu.memory_space<hbm>>
      %dma_start3A_278 = tpu.memref_squeeze %dma_start3A_277 : memref<1x49952xf32, #tpu.memory_space<hbm>> -> memref<49952xf32, #tpu.memory_space<hbm>>
      %dma_start3A_279 = arith.constant 50048 : i32
      %dma_start3A_280 = tpu.memref_slice %arg2[%min3A_275, %dma_start3A_279] : memref<832x100000xf32, #tpu.memory_space<hbm>> -> memref<1x49952xf32, #tpu.memory_space<hbm>>
      %dma_start3A_281 = tpu.memref_squeeze %dma_start3A_280 : memref<1x49952xf32, #tpu.memory_space<hbm>> -> memref<49952xf32, #tpu.memory_space<hbm>>
      tpu.enqueue_dma source(%dma_start3A_281 : memref<49952xf32, #tpu.memory_space<hbm>>) target(%arg6 : memref<49952xf32, #tpu.memory_space<vmem>>) target_semaphore(%arg12 : memref<!tpu.dma_semaphore, #tpu.memory_space<semaphore_mem>>)
      %dma_start3A_282 = arith.constant 0 : i32
      %dma_start3A_283 = tpu.memref_slice %arg4[%add3A_185, %dma_start3A_282] : memref<832x4096xf32, #tpu.memory_space<hbm>> -> memref<1x4096xf32, #tpu.memory_space<hbm>>
      %dma_start3A_284 = tpu.memref_squeeze %dma_start3A_283 : memref<1x4096xf32, #tpu.memory_space<hbm>> -> memref<4096xf32, #tpu.memory_space<hbm>>
      %dma_start3A_285 = arith.constant 0 : i32
      %dma_start3A_286 = tpu.memref_slice %arg4[%add3A_185, %dma_start3A_285] : memref<832x4096xf32, #tpu.memory_space<hbm>> -> memref<1x4096xf32, #tpu.memory_space<hbm>>
      %dma_start3A_287 = tpu.memref_squeeze %dma_start3A_286 : memref<1x4096xf32, #tpu.memory_space<hbm>> -> memref<4096xf32, #tpu.memory_space<hbm>>
      tpu.enqueue_dma source(%arg10 : memref<4096xf32, #tpu.memory_space<vmem>>) target(%dma_start3A_287 : memref<4096xf32, #tpu.memory_space<hbm>>) target_semaphore(%arg14 : memref<!tpu.dma_semaphore, #tpu.memory_space<semaphore_mem>>)
      %scan3A_288 = arith.constant 0 : i32
      scf.yield %scan3A_288 : i32
    }
    %scan3A_46 = arith.constant 13 : i32
    %dma_wait3A = arith.constant 0 : i32
    %dma_wait3A_47 = arith.constant 0 : i32
    %dma_wait3A_48 = tpu.memref_slice %arg2[%dma_wait3A, %dma_wait3A_47] : memref<832x100000xf32, #tpu.memory_space<hbm>> -> memref<1x50048xf32, #tpu.memory_space<hbm>>
    %dma_wait3A_49 = tpu.memref_squeeze %dma_wait3A_48 : memref<1x50048xf32, #tpu.memory_space<hbm>> -> memref<50048xf32, #tpu.memory_space<hbm>>
    %dma_wait3A_50 = arith.constant 0 : i32
    %dma_wait3A_51 = tpu.memref_slice %arg2[%dma_wait3A, %dma_wait3A_50] : memref<832x100000xf32, #tpu.memory_space<hbm>> -> memref<1x50048xf32, #tpu.memory_space<hbm>>
    %dma_wait3A_52 = tpu.memref_squeeze %dma_wait3A_51 : memref<1x50048xf32, #tpu.memory_space<hbm>> -> memref<50048xf32, #tpu.memory_space<hbm>>
    tpu.wait_dma2 semaphore(%arg11 : memref<!tpu.dma_semaphore, #tpu.memory_space<semaphore_mem>>) src(%dma_wait3A_52 : memref<50048xf32, #tpu.memory_space<hbm>>) dst(%arg5 : memref<50048xf32, #tpu.memory_space<vmem>>)
    %dma_wait3A_53 = arith.constant 0 : i32
    %dma_wait3A_54 = arith.constant 50048 : i32
    %dma_wait3A_55 = tpu.memref_slice %arg2[%dma_wait3A_53, %dma_wait3A_54] : memref<832x100000xf32, #tpu.memory_space<hbm>> -> memref<1x49952xf32, #tpu.memory_space<hbm>>
    %dma_wait3A_56 = tpu.memref_squeeze %dma_wait3A_55 : memref<1x49952xf32, #tpu.memory_space<hbm>> -> memref<49952xf32, #tpu.memory_space<hbm>>
    %dma_wait3A_57 = arith.constant 50048 : i32
    %dma_wait3A_58 = tpu.memref_slice %arg2[%dma_wait3A_53, %dma_wait3A_57] : memref<832x100000xf32, #tpu.memory_space<hbm>> -> memref<1x49952xf32, #tpu.memory_space<hbm>>
    %dma_wait3A_59 = tpu.memref_squeeze %dma_wait3A_58 : memref<1x49952xf32, #tpu.memory_space<hbm>> -> memref<49952xf32, #tpu.memory_space<hbm>>
    tpu.wait_dma2 semaphore(%arg12 : memref<!tpu.dma_semaphore, #tpu.memory_space<semaphore_mem>>) src(%dma_wait3A_59 : memref<49952xf32, #tpu.memory_space<hbm>>) dst(%arg6 : memref<49952xf32, #tpu.memory_space<vmem>>)
    %dma_wait3A_60 = arith.constant 0 : i32
    %dma_wait3A_61 = arith.constant 0 : i32
    %dma_wait3A_62 = tpu.memref_slice %arg3[%dma_wait3A_60, %dma_wait3A_61] : memref<26x4096xi32, #tpu.memory_space<hbm>> -> memref<1x4096xi32, #tpu.memory_space<hbm>>
    %dma_wait3A_63 = tpu.memref_squeeze %dma_wait3A_62 : memref<1x4096xi32, #tpu.memory_space<hbm>> -> memref<4096xi32, #tpu.memory_space<hbm>>
    %dma_wait3A_64 = arith.constant 0 : i32
    %dma_wait3A_65 = tpu.memref_slice %arg3[%dma_wait3A_60, %dma_wait3A_64] : memref<26x4096xi32, #tpu.memory_space<hbm>> -> memref<1x4096xi32, #tpu.memory_space<hbm>>
    %dma_wait3A_66 = tpu.memref_squeeze %dma_wait3A_65 : memref<1x4096xi32, #tpu.memory_space<hbm>> -> memref<4096xi32, #tpu.memory_space<hbm>>
    tpu.wait_dma2 semaphore(%arg13 : memref<!tpu.dma_semaphore, #tpu.memory_space<semaphore_mem>>) src(%dma_wait3A_66 : memref<4096xi32, #tpu.memory_space<hbm>>) dst(%arg7 : memref<4096xi32, #tpu.memory_space<vmem>>)
    %dma_wait3A_67 = arith.constant 0 : i32
    %dma_wait3A_68 = arith.constant 0 : i32
    %dma_wait3A_69 = tpu.memref_slice %arg4[%dma_wait3A_67, %dma_wait3A_68] : memref<832x4096xf32, #tpu.memory_space<hbm>> -> memref<1x4096xf32, #tpu.memory_space<hbm>>
    %dma_wait3A_70 = tpu.memref_squeeze %dma_wait3A_69 : memref<1x4096xf32, #tpu.memory_space<hbm>> -> memref<4096xf32, #tpu.memory_space<hbm>>
    %dma_wait3A_71 = arith.constant 0 : i32
    %dma_wait3A_72 = tpu.memref_slice %arg4[%dma_wait3A_67, %dma_wait3A_71] : memref<832x4096xf32, #tpu.memory_space<hbm>> -> memref<1x4096xf32, #tpu.memory_space<hbm>>
    %dma_wait3A_73 = tpu.memref_squeeze %dma_wait3A_72 : memref<1x4096xf32, #tpu.memory_space<hbm>> -> memref<4096xf32, #tpu.memory_space<hbm>>
    tpu.wait_dma2 semaphore(%arg14 : memref<!tpu.dma_semaphore, #tpu.memory_space<semaphore_mem>>) src(%arg9 : memref<4096xf32, #tpu.memory_space<vmem>>) dst(%dma_wait3A_73 : memref<4096xf32, #tpu.memory_space<hbm>>)
    %dma_wait3A_74 = arith.constant 0 : i32
    %dma_wait3A_75 = arith.constant 0 : i32
    %dma_wait3A_76 = tpu.memref_slice %arg4[%dma_wait3A_74, %dma_wait3A_75] : memref<832x4096xf32, #tpu.memory_space<hbm>> -> memref<1x4096xf32, #tpu.memory_space<hbm>>
    %dma_wait3A_77 = tpu.memref_squeeze %dma_wait3A_76 : memref<1x4096xf32, #tpu.memory_space<hbm>> -> memref<4096xf32, #tpu.memory_space<hbm>>
    %dma_wait3A_78 = arith.constant 0 : i32
    %dma_wait3A_79 = tpu.memref_slice %arg4[%dma_wait3A_74, %dma_wait3A_78] : memref<832x4096xf32, #tpu.memory_space<hbm>> -> memref<1x4096xf32, #tpu.memory_space<hbm>>
    %dma_wait3A_80 = tpu.memref_squeeze %dma_wait3A_79 : memref<1x4096xf32, #tpu.memory_space<hbm>> -> memref<4096xf32, #tpu.memory_space<hbm>>
    tpu.wait_dma2 semaphore(%arg14 : memref<!tpu.dma_semaphore, #tpu.memory_space<semaphore_mem>>) src(%arg10 : memref<4096xf32, #tpu.memory_space<vmem>>) dst(%dma_wait3A_80 : memref<4096xf32, #tpu.memory_space<hbm>>)
    return
  }
}

module attributes {stable_mosaic.version = 14 : i64} {
  func.func @_tc_bot_body(%arg0: i32, %arg1: memref<13x256xf32, #tpu.memory_space<vmem>>, %arg2: memref<512x13xf32, #tpu.memory_space<vmem>>, %arg3: memref<512x1xf32, #tpu.memory_space<vmem>>, %arg4: memref<256x512xf32, #tpu.memory_space<vmem>>, %arg5: memref<256x1xf32, #tpu.memory_space<vmem>>, %arg6: memref<32x256xf32, #tpu.memory_space<vmem>>, %arg7: memref<32x1xf32, #tpu.memory_space<vmem>>, %arg8: memref<32x256xf32, #tpu.memory_space<vmem>>) attributes {dimension_semantics = [#tpu.dimension_semantics<arbitrary>], iteration_bounds = array<i64: 16>, scalar_prefetch = 0 : i64, scratch_operands = 0 : i64, tpu.core_type = #tpu.core_type<tc>, window_params = [{transform_indices = @transform_0, window_bounds = array<i64: 13, 256>}, {pipeline_mode = #tpu.pipeline_mode<synchronous>, transform_indices = @transform_1, window_bounds = array<i64: 512, 13>}, {pipeline_mode = #tpu.pipeline_mode<synchronous>, transform_indices = @transform_2, window_bounds = array<i64: 512, 1>}, {pipeline_mode = #tpu.pipeline_mode<synchronous>, transform_indices = @transform_3, window_bounds = array<i64: 256, 512>}, {pipeline_mode = #tpu.pipeline_mode<synchronous>, transform_indices = @transform_4, window_bounds = array<i64: 256, 1>}, {pipeline_mode = #tpu.pipeline_mode<synchronous>, transform_indices = @transform_5, window_bounds = array<i64: 32, 256>}, {pipeline_mode = #tpu.pipeline_mode<synchronous>, transform_indices = @transform_6, window_bounds = array<i64: 32, 1>}, {transform_indices = @transform_7, window_bounds = array<i64: 32, 256>}]} {
    %get3A = arith.constant 0 : index
    %get3A_0 = arith.constant 0 : index
    %get3A_1 = vector.load %arg1[%get3A, %get3A_0] : memref<13x256xf32, #tpu.memory_space<vmem>>, vector<13x256xf32>
    %get3A_2 = arith.constant 0 : index
    %get3A_3 = arith.constant 0 : index
    %get3A_4 = vector.load %arg2[%get3A_2, %get3A_3] : memref<512x13xf32, #tpu.memory_space<vmem>>, vector<512x13xf32>
    %dot_general3A = arith.constant dense<0.000000e+00> : vector<512x256xf32>
    %dot_general3A_5 = tpu.matmul %get3A_4, %get3A_1, %dot_general3A {dimension_numbers = #tpu.dot_dimension_numbers<[1], [0], [0], [1], [0, 0, 1, 1], [], []>, transpose_lhs_hint = false} : vector<512x13xf32>, vector<13x256xf32>, vector<512x256xf32> -> vector<512x256xf32>
    %get3A_6 = arith.constant 0 : index
    %get3A_7 = arith.constant 0 : index
    %get3A_8 = vector.load %arg3[%get3A_6, %get3A_7] : memref<512x1xf32, #tpu.memory_space<vmem>>, vector<512x1xf32>
    %add3A = vector.broadcast %get3A_8 : vector<512x1xf32> to vector<512x256xf32>
    %add3A_9 = arith.addf %dot_general3A_5, %add3A : vector<512x256xf32>
    %max3A = arith.constant 0.000000e+00 : f32
    %max3A_10 = vector.broadcast %max3A : f32 to vector<512x256xf32>
    %max3A_11 = arith.maximumf %add3A_9, %max3A_10 : vector<512x256xf32>
    %get3A_12 = arith.constant 0 : index
    %get3A_13 = arith.constant 0 : index
    %get3A_14 = vector.load %arg4[%get3A_12, %get3A_13] : memref<256x512xf32, #tpu.memory_space<vmem>>, vector<256x512xf32>
    %dot_general3A_15 = arith.constant dense<0.000000e+00> : vector<256x256xf32>
    %dot_general3A_16 = tpu.matmul %get3A_14, %max3A_11, %dot_general3A_15 {dimension_numbers = #tpu.dot_dimension_numbers<[1], [0], [0], [1], [0, 0, 1, 1], [], []>, transpose_lhs_hint = false} : vector<256x512xf32>, vector<512x256xf32>, vector<256x256xf32> -> vector<256x256xf32>
    %get3A_17 = arith.constant 0 : index
    %get3A_18 = arith.constant 0 : index
    %get3A_19 = vector.load %arg5[%get3A_17, %get3A_18] : memref<256x1xf32, #tpu.memory_space<vmem>>, vector<256x1xf32>
    %add3A_20 = vector.broadcast %get3A_19 : vector<256x1xf32> to vector<256x256xf32>
    %add3A_21 = arith.addf %dot_general3A_16, %add3A_20 : vector<256x256xf32>
    %max3A_22 = arith.constant 0.000000e+00 : f32
    %max3A_23 = vector.broadcast %max3A_22 : f32 to vector<256x256xf32>
    %max3A_24 = arith.maximumf %add3A_21, %max3A_23 : vector<256x256xf32>
    %get3A_25 = arith.constant 0 : index
    %get3A_26 = arith.constant 0 : index
    %get3A_27 = vector.load %arg6[%get3A_25, %get3A_26] : memref<32x256xf32, #tpu.memory_space<vmem>>, vector<32x256xf32>
    %dot_general3A_28 = arith.constant dense<0.000000e+00> : vector<32x256xf32>
    %dot_general3A_29 = tpu.matmul %get3A_27, %max3A_24, %dot_general3A_28 {dimension_numbers = #tpu.dot_dimension_numbers<[1], [0], [0], [1], [0, 0, 1, 1], [], []>, transpose_lhs_hint = false} : vector<32x256xf32>, vector<256x256xf32>, vector<32x256xf32> -> vector<32x256xf32>
    %get3A_30 = arith.constant 0 : index
    %get3A_31 = arith.constant 0 : index
    %get3A_32 = vector.load %arg7[%get3A_30, %get3A_31] : memref<32x1xf32, #tpu.memory_space<vmem>>, vector<32x1xf32>
    %add3A_33 = vector.broadcast %get3A_32 : vector<32x1xf32> to vector<32x256xf32>
    %add3A_34 = arith.addf %dot_general3A_29, %add3A_33 : vector<32x256xf32>
    %max3A_35 = arith.constant 0.000000e+00 : f32
    %max3A_36 = vector.broadcast %max3A_35 : f32 to vector<32x256xf32>
    %max3A_37 = arith.maximumf %add3A_34, %max3A_36 : vector<32x256xf32>
    %swap3A = arith.constant 0 : index
    %swap3A_38 = arith.constant 0 : index
    %swap3A_39 = vector.load %arg8[%swap3A, %swap3A_38] : memref<32x256xf32, #tpu.memory_space<vmem>>, vector<32x256xf32>
    tpu.vector_store %arg8[%swap3A, %swap3A_38], %max3A_37 {strides = array<i32>} : memref<32x256xf32, #tpu.memory_space<vmem>>, vector<32x256xf32>,
    return
  }
  func.func @transform_0(%arg0: i32) -> (i32, i32) {
    %c0_i32 = arith.constant 0 : i32
    %c0_i32_0 = arith.constant 0 : i32
    return %c0_i32, %arg0 : i32, i32
  }
  func.func @transform_1(%arg0: i32) -> (i32, i32) {
    %c0_i32 = arith.constant 0 : i32
    %c0_i32_0 = arith.constant 0 : i32
    %c0_i32_1 = arith.constant 0 : i32
    return %c0_i32, %c0_i32_0 : i32, i32
  }
  func.func @transform_2(%arg0: i32) -> (i32, i32) {
    %c0_i32 = arith.constant 0 : i32
    %c0_i32_0 = arith.constant 0 : i32
    %c0_i32_1 = arith.constant 0 : i32
    return %c0_i32, %c0_i32_0 : i32, i32
  }
  func.func @transform_3(%arg0: i32) -> (i32, i32) {
    %c0_i32 = arith.constant 0 : i32
    %c0_i32_0 = arith.constant 0 : i32
    %c0_i32_1 = arith.constant 0 : i32
    return %c0_i32, %c0_i32_0 : i32, i32
  }
  func.func @transform_4(%arg0: i32) -> (i32, i32) {
    %c0_i32 = arith.constant 0 : i32
    %c0_i32_0 = arith.constant 0 : i32
    %c0_i32_1 = arith.constant 0 : i32
    return %c0_i32, %c0_i32_0 : i32, i32
  }
  func.func @transform_5(%arg0: i32) -> (i32, i32) {
    %c0_i32 = arith.constant 0 : i32
    %c0_i32_0 = arith.constant 0 : i32
    %c0_i32_1 = arith.constant 0 : i32
    return %c0_i32, %c0_i32_0 : i32, i32
  }
  func.func @transform_6(%arg0: i32) -> (i32, i32) {
    %c0_i32 = arith.constant 0 : i32
    %c0_i32_0 = arith.constant 0 : i32
    %c0_i32_1 = arith.constant 0 : i32
    return %c0_i32, %c0_i32_0 : i32, i32
  }
  func.func @transform_7(%arg0: i32) -> (i32, i32) {
    %c0_i32 = arith.constant 0 : i32
    %c0_i32_0 = arith.constant 0 : i32
    return %c0_i32, %arg0 : i32, i32
  }
}

module attributes {stable_mosaic.version = 14 : i64} {
  func.func @_tc_body(%arg0: i32, %arg1: memref<32x256xf32, #tpu.memory_space<vmem>>, %arg2: memref<832x256xf32, #tpu.memory_space<vmem>>, %arg3: memref<512x32xf32, #tpu.memory_space<vmem>>, %arg4: memref<512x729xf32, #tpu.memory_space<vmem>>, %arg5: memref<512x1xf32, #tpu.memory_space<vmem>>, %arg6: memref<256x512xf32, #tpu.memory_space<vmem>>, %arg7: memref<256x1xf32, #tpu.memory_space<vmem>>, %arg8: memref<1x256xf32, #tpu.memory_space<vmem>>, %arg9: memref<1x1xf32, #tpu.memory_space<vmem>>, %arg10: memref<1x256xf32, #tpu.memory_space<vmem>>) attributes {dimension_semantics = [#tpu.dimension_semantics<arbitrary>], iteration_bounds = array<i64: 16>, scalar_prefetch = 0 : i64, scratch_operands = 0 : i64, tpu.core_type = #tpu.core_type<tc>, window_params = [{transform_indices = @transform_0, window_bounds = array<i64: 32, 256>}, {transform_indices = @transform_1, window_bounds = array<i64: 832, 256>}, {pipeline_mode = #tpu.pipeline_mode<synchronous>, transform_indices = @transform_2, window_bounds = array<i64: 512, 32>}, {pipeline_mode = #tpu.pipeline_mode<synchronous>, transform_indices = @transform_3, window_bounds = array<i64: 512, 729>}, {pipeline_mode = #tpu.pipeline_mode<synchronous>, transform_indices = @transform_4, window_bounds = array<i64: 512, 1>}, {pipeline_mode = #tpu.pipeline_mode<synchronous>, transform_indices = @transform_5, window_bounds = array<i64: 256, 512>}, {pipeline_mode = #tpu.pipeline_mode<synchronous>, transform_indices = @transform_6, window_bounds = array<i64: 256, 1>}, {pipeline_mode = #tpu.pipeline_mode<synchronous>, transform_indices = @transform_7, window_bounds = array<i64: 1, 256>}, {pipeline_mode = #tpu.pipeline_mode<synchronous>, transform_indices = @transform_8, window_bounds = array<i64: 1, 1>}, {transform_indices = @transform_9, window_bounds = array<i64: 1, 256>}]} {
    %get3A = arith.constant 0 : index
    %get3A_0 = arith.constant 0 : index
    %get3A_1 = vector.load %arg1[%get3A, %get3A_0] : memref<32x256xf32, #tpu.memory_space<vmem>>, vector<32x256xf32>
    %get3A_2 = arith.constant 0 : index
    %get3A_3 = arith.constant 0 : index
    %get3A_4 = vector.load %arg2[%get3A_2, %get3A_3] : memref<832x256xf32, #tpu.memory_space<vmem>>, vector<832x256xf32>
    %concatenate3A = tpu.concatenate %get3A_4, %get3A_1 in 0 : vector<832x256xf32>, vector<32x256xf32> -> vector<864x256xf32>
    %reshape3A = vector.shape_cast %concatenate3A : vector<864x256xf32> to vector<27x32x256xf32>
    %slice3A = vector.extract_strided_slice %reshape3A {offsets = [0, 0, 0], sizes = [1, 32, 256], strides = [1, 1, 1]} : vector<27x32x256xf32> to vector<1x32x256xf32>
    %squeeze3A = vector.shape_cast %slice3A : vector<1x32x256xf32> to vector<32x256xf32>
    %broadcast_in_dim3A = vector.shape_cast %squeeze3A : vector<32x256xf32> to vector<1x32x256xf32>
    %mul3A = vector.broadcast %broadcast_in_dim3A : vector<1x32x256xf32> to vector<27x32x256xf32>
    %mul3A_5 = arith.mulf %reshape3A, %mul3A : vector<27x32x256xf32>
    %reduce_sum3A = arith.constant dense<0.000000e+00> : vector<27x256xf32>
    %reduce_sum3A_6 = vector.multi_reduction <add>, %mul3A_5, %reduce_sum3A [1] : vector<27x32x256xf32> to vector<27x256xf32>
    %slice3A_7 = vector.extract_strided_slice %reshape3A {offsets = [1, 0, 0], sizes = [1, 32, 256], strides = [1, 1, 1]} : vector<27x32x256xf32> to vector<1x32x256xf32>
    %squeeze3A_8 = vector.shape_cast %slice3A_7 : vector<1x32x256xf32> to vector<32x256xf32>
    %broadcast_in_dim3A_9 = vector.shape_cast %squeeze3A_8 : vector<32x256xf32> to vector<1x32x256xf32>
    %mul3A_10 = vector.broadcast %broadcast_in_dim3A_9 : vector<1x32x256xf32> to vector<27x32x256xf32>
    %mul3A_11 = arith.mulf %reshape3A, %mul3A_10 : vector<27x32x256xf32>
    %reduce_sum3A_12 = arith.constant dense<0.000000e+00> : vector<27x256xf32>
    %reduce_sum3A_13 = vector.multi_reduction <add>, %mul3A_11, %reduce_sum3A_12 [1] : vector<27x32x256xf32> to vector<27x256xf32>
    %slice3A_14 = vector.extract_strided_slice %reshape3A {offsets = [2, 0, 0], sizes = [1, 32, 256], strides = [1, 1, 1]} : vector<27x32x256xf32> to vector<1x32x256xf32>
    %squeeze3A_15 = vector.shape_cast %slice3A_14 : vector<1x32x256xf32> to vector<32x256xf32>
    %broadcast_in_dim3A_16 = vector.shape_cast %squeeze3A_15 : vector<32x256xf32> to vector<1x32x256xf32>
    %mul3A_17 = vector.broadcast %broadcast_in_dim3A_16 : vector<1x32x256xf32> to vector<27x32x256xf32>
    %mul3A_18 = arith.mulf %reshape3A, %mul3A_17 : vector<27x32x256xf32>
    %reduce_sum3A_19 = arith.constant dense<0.000000e+00> : vector<27x256xf32>
    %reduce_sum3A_20 = vector.multi_reduction <add>, %mul3A_18, %reduce_sum3A_19 [1] : vector<27x32x256xf32> to vector<27x256xf32>
    %slice3A_21 = vector.extract_strided_slice %reshape3A {offsets = [3, 0, 0], sizes = [1, 32, 256], strides = [1, 1, 1]} : vector<27x32x256xf32> to vector<1x32x256xf32>
    %squeeze3A_22 = vector.shape_cast %slice3A_21 : vector<1x32x256xf32> to vector<32x256xf32>
    %broadcast_in_dim3A_23 = vector.shape_cast %squeeze3A_22 : vector<32x256xf32> to vector<1x32x256xf32>
    %mul3A_24 = vector.broadcast %broadcast_in_dim3A_23 : vector<1x32x256xf32> to vector<27x32x256xf32>
    %mul3A_25 = arith.mulf %reshape3A, %mul3A_24 : vector<27x32x256xf32>
    %reduce_sum3A_26 = arith.constant dense<0.000000e+00> : vector<27x256xf32>
    %reduce_sum3A_27 = vector.multi_reduction <add>, %mul3A_25, %reduce_sum3A_26 [1] : vector<27x32x256xf32> to vector<27x256xf32>
    %slice3A_28 = vector.extract_strided_slice %reshape3A {offsets = [4, 0, 0], sizes = [1, 32, 256], strides = [1, 1, 1]} : vector<27x32x256xf32> to vector<1x32x256xf32>
    %squeeze3A_29 = vector.shape_cast %slice3A_28 : vector<1x32x256xf32> to vector<32x256xf32>
    %broadcast_in_dim3A_30 = vector.shape_cast %squeeze3A_29 : vector<32x256xf32> to vector<1x32x256xf32>
    %mul3A_31 = vector.broadcast %broadcast_in_dim3A_30 : vector<1x32x256xf32> to vector<27x32x256xf32>
    %mul3A_32 = arith.mulf %reshape3A, %mul3A_31 : vector<27x32x256xf32>
    %reduce_sum3A_33 = arith.constant dense<0.000000e+00> : vector<27x256xf32>
    %reduce_sum3A_34 = vector.multi_reduction <add>, %mul3A_32, %reduce_sum3A_33 [1] : vector<27x32x256xf32> to vector<27x256xf32>
    %slice3A_35 = vector.extract_strided_slice %reshape3A {offsets = [5, 0, 0], sizes = [1, 32, 256], strides = [1, 1, 1]} : vector<27x32x256xf32> to vector<1x32x256xf32>
    %squeeze3A_36 = vector.shape_cast %slice3A_35 : vector<1x32x256xf32> to vector<32x256xf32>
    %broadcast_in_dim3A_37 = vector.shape_cast %squeeze3A_36 : vector<32x256xf32> to vector<1x32x256xf32>
    %mul3A_38 = vector.broadcast %broadcast_in_dim3A_37 : vector<1x32x256xf32> to vector<27x32x256xf32>
    %mul3A_39 = arith.mulf %reshape3A, %mul3A_38 : vector<27x32x256xf32>
    %reduce_sum3A_40 = arith.constant dense<0.000000e+00> : vector<27x256xf32>
    %reduce_sum3A_41 = vector.multi_reduction <add>, %mul3A_39, %reduce_sum3A_40 [1] : vector<27x32x256xf32> to vector<27x256xf32>
    %slice3A_42 = vector.extract_strided_slice %reshape3A {offsets = [6, 0, 0], sizes = [1, 32, 256], strides = [1, 1, 1]} : vector<27x32x256xf32> to vector<1x32x256xf32>
    %squeeze3A_43 = vector.shape_cast %slice3A_42 : vector<1x32x256xf32> to vector<32x256xf32>
    %broadcast_in_dim3A_44 = vector.shape_cast %squeeze3A_43 : vector<32x256xf32> to vector<1x32x256xf32>
    %mul3A_45 = vector.broadcast %broadcast_in_dim3A_44 : vector<1x32x256xf32> to vector<27x32x256xf32>
    %mul3A_46 = arith.mulf %reshape3A, %mul3A_45 : vector<27x32x256xf32>
    %reduce_sum3A_47 = arith.constant dense<0.000000e+00> : vector<27x256xf32>
    %reduce_sum3A_48 = vector.multi_reduction <add>, %mul3A_46, %reduce_sum3A_47 [1] : vector<27x32x256xf32> to vector<27x256xf32>
    %slice3A_49 = vector.extract_strided_slice %reshape3A {offsets = [7, 0, 0], sizes = [1, 32, 256], strides = [1, 1, 1]} : vector<27x32x256xf32> to vector<1x32x256xf32>
    %squeeze3A_50 = vector.shape_cast %slice3A_49 : vector<1x32x256xf32> to vector<32x256xf32>
    %broadcast_in_dim3A_51 = vector.shape_cast %squeeze3A_50 : vector<32x256xf32> to vector<1x32x256xf32>
    %mul3A_52 = vector.broadcast %broadcast_in_dim3A_51 : vector<1x32x256xf32> to vector<27x32x256xf32>
    %mul3A_53 = arith.mulf %reshape3A, %mul3A_52 : vector<27x32x256xf32>
    %reduce_sum3A_54 = arith.constant dense<0.000000e+00> : vector<27x256xf32>
    %reduce_sum3A_55 = vector.multi_reduction <add>, %mul3A_53, %reduce_sum3A_54 [1] : vector<27x32x256xf32> to vector<27x256xf32>
    %slice3A_56 = vector.extract_strided_slice %reshape3A {offsets = [8, 0, 0], sizes = [1, 32, 256], strides = [1, 1, 1]} : vector<27x32x256xf32> to vector<1x32x256xf32>
    %squeeze3A_57 = vector.shape_cast %slice3A_56 : vector<1x32x256xf32> to vector<32x256xf32>
    %broadcast_in_dim3A_58 = vector.shape_cast %squeeze3A_57 : vector<32x256xf32> to vector<1x32x256xf32>
    %mul3A_59 = vector.broadcast %broadcast_in_dim3A_58 : vector<1x32x256xf32> to vector<27x32x256xf32>
    %mul3A_60 = arith.mulf %reshape3A, %mul3A_59 : vector<27x32x256xf32>
    %reduce_sum3A_61 = arith.constant dense<0.000000e+00> : vector<27x256xf32>
    %reduce_sum3A_62 = vector.multi_reduction <add>, %mul3A_60, %reduce_sum3A_61 [1] : vector<27x32x256xf32> to vector<27x256xf32>
    %slice3A_63 = vector.extract_strided_slice %reshape3A {offsets = [9, 0, 0], sizes = [1, 32, 256], strides = [1, 1, 1]} : vector<27x32x256xf32> to vector<1x32x256xf32>
    %squeeze3A_64 = vector.shape_cast %slice3A_63 : vector<1x32x256xf32> to vector<32x256xf32>
    %broadcast_in_dim3A_65 = vector.shape_cast %squeeze3A_64 : vector<32x256xf32> to vector<1x32x256xf32>
    %mul3A_66 = vector.broadcast %broadcast_in_dim3A_65 : vector<1x32x256xf32> to vector<27x32x256xf32>
    %mul3A_67 = arith.mulf %reshape3A, %mul3A_66 : vector<27x32x256xf32>
    %reduce_sum3A_68 = arith.constant dense<0.000000e+00> : vector<27x256xf32>
    %reduce_sum3A_69 = vector.multi_reduction <add>, %mul3A_67, %reduce_sum3A_68 [1] : vector<27x32x256xf32> to vector<27x256xf32>
    %slice3A_70 = vector.extract_strided_slice %reshape3A {offsets = [10, 0, 0], sizes = [1, 32, 256], strides = [1, 1, 1]} : vector<27x32x256xf32> to vector<1x32x256xf32>
    %squeeze3A_71 = vector.shape_cast %slice3A_70 : vector<1x32x256xf32> to vector<32x256xf32>
    %broadcast_in_dim3A_72 = vector.shape_cast %squeeze3A_71 : vector<32x256xf32> to vector<1x32x256xf32>
    %mul3A_73 = vector.broadcast %broadcast_in_dim3A_72 : vector<1x32x256xf32> to vector<27x32x256xf32>
    %mul3A_74 = arith.mulf %reshape3A, %mul3A_73 : vector<27x32x256xf32>
    %reduce_sum3A_75 = arith.constant dense<0.000000e+00> : vector<27x256xf32>
    %reduce_sum3A_76 = vector.multi_reduction <add>, %mul3A_74, %reduce_sum3A_75 [1] : vector<27x32x256xf32> to vector<27x256xf32>
    %slice3A_77 = vector.extract_strided_slice %reshape3A {offsets = [11, 0, 0], sizes = [1, 32, 256], strides = [1, 1, 1]} : vector<27x32x256xf32> to vector<1x32x256xf32>
    %squeeze3A_78 = vector.shape_cast %slice3A_77 : vector<1x32x256xf32> to vector<32x256xf32>
    %broadcast_in_dim3A_79 = vector.shape_cast %squeeze3A_78 : vector<32x256xf32> to vector<1x32x256xf32>
    %mul3A_80 = vector.broadcast %broadcast_in_dim3A_79 : vector<1x32x256xf32> to vector<27x32x256xf32>
    %mul3A_81 = arith.mulf %reshape3A, %mul3A_80 : vector<27x32x256xf32>
    %reduce_sum3A_82 = arith.constant dense<0.000000e+00> : vector<27x256xf32>
    %reduce_sum3A_83 = vector.multi_reduction <add>, %mul3A_81, %reduce_sum3A_82 [1] : vector<27x32x256xf32> to vector<27x256xf32>
    %slice3A_84 = vector.extract_strided_slice %reshape3A {offsets = [12, 0, 0], sizes = [1, 32, 256], strides = [1, 1, 1]} : vector<27x32x256xf32> to vector<1x32x256xf32>
    %squeeze3A_85 = vector.shape_cast %slice3A_84 : vector<1x32x256xf32> to vector<32x256xf32>
    %broadcast_in_dim3A_86 = vector.shape_cast %squeeze3A_85 : vector<32x256xf32> to vector<1x32x256xf32>
    %mul3A_87 = vector.broadcast %broadcast_in_dim3A_86 : vector<1x32x256xf32> to vector<27x32x256xf32>
    %mul3A_88 = arith.mulf %reshape3A, %mul3A_87 : vector<27x32x256xf32>
    %reduce_sum3A_89 = arith.constant dense<0.000000e+00> : vector<27x256xf32>
    %reduce_sum3A_90 = vector.multi_reduction <add>, %mul3A_88, %reduce_sum3A_89 [1] : vector<27x32x256xf32> to vector<27x256xf32>
    %slice3A_91 = vector.extract_strided_slice %reshape3A {offsets = [13, 0, 0], sizes = [1, 32, 256], strides = [1, 1, 1]} : vector<27x32x256xf32> to vector<1x32x256xf32>
    %squeeze3A_92 = vector.shape_cast %slice3A_91 : vector<1x32x256xf32> to vector<32x256xf32>
    %broadcast_in_dim3A_93 = vector.shape_cast %squeeze3A_92 : vector<32x256xf32> to vector<1x32x256xf32>
    %mul3A_94 = vector.broadcast %broadcast_in_dim3A_93 : vector<1x32x256xf32> to vector<27x32x256xf32>
    %mul3A_95 = arith.mulf %reshape3A, %mul3A_94 : vector<27x32x256xf32>
    %reduce_sum3A_96 = arith.constant dense<0.000000e+00> : vector<27x256xf32>
    %reduce_sum3A_97 = vector.multi_reduction <add>, %mul3A_95, %reduce_sum3A_96 [1] : vector<27x32x256xf32> to vector<27x256xf32>
    %slice3A_98 = vector.extract_strided_slice %reshape3A {offsets = [14, 0, 0], sizes = [1, 32, 256], strides = [1, 1, 1]} : vector<27x32x256xf32> to vector<1x32x256xf32>
    %squeeze3A_99 = vector.shape_cast %slice3A_98 : vector<1x32x256xf32> to vector<32x256xf32>
    %broadcast_in_dim3A_100 = vector.shape_cast %squeeze3A_99 : vector<32x256xf32> to vector<1x32x256xf32>
    %mul3A_101 = vector.broadcast %broadcast_in_dim3A_100 : vector<1x32x256xf32> to vector<27x32x256xf32>
    %mul3A_102 = arith.mulf %reshape3A, %mul3A_101 : vector<27x32x256xf32>
    %reduce_sum3A_103 = arith.constant dense<0.000000e+00> : vector<27x256xf32>
    %reduce_sum3A_104 = vector.multi_reduction <add>, %mul3A_102, %reduce_sum3A_103 [1] : vector<27x32x256xf32> to vector<27x256xf32>
    %slice3A_105 = vector.extract_strided_slice %reshape3A {offsets = [15, 0, 0], sizes = [1, 32, 256], strides = [1, 1, 1]} : vector<27x32x256xf32> to vector<1x32x256xf32>
    %squeeze3A_106 = vector.shape_cast %slice3A_105 : vector<1x32x256xf32> to vector<32x256xf32>
    %broadcast_in_dim3A_107 = vector.shape_cast %squeeze3A_106 : vector<32x256xf32> to vector<1x32x256xf32>
    %mul3A_108 = vector.broadcast %broadcast_in_dim3A_107 : vector<1x32x256xf32> to vector<27x32x256xf32>
    %mul3A_109 = arith.mulf %reshape3A, %mul3A_108 : vector<27x32x256xf32>
    %reduce_sum3A_110 = arith.constant dense<0.000000e+00> : vector<27x256xf32>
    %reduce_sum3A_111 = vector.multi_reduction <add>, %mul3A_109, %reduce_sum3A_110 [1] : vector<27x32x256xf32> to vector<27x256xf32>
    %slice3A_112 = vector.extract_strided_slice %reshape3A {offsets = [16, 0, 0], sizes = [1, 32, 256], strides = [1, 1, 1]} : vector<27x32x256xf32> to vector<1x32x256xf32>
    %squeeze3A_113 = vector.shape_cast %slice3A_112 : vector<1x32x256xf32> to vector<32x256xf32>
    %broadcast_in_dim3A_114 = vector.shape_cast %squeeze3A_113 : vector<32x256xf32> to vector<1x32x256xf32>
    %mul3A_115 = vector.broadcast %broadcast_in_dim3A_114 : vector<1x32x256xf32> to vector<27x32x256xf32>
    %mul3A_116 = arith.mulf %reshape3A, %mul3A_115 : vector<27x32x256xf32>
    %reduce_sum3A_117 = arith.constant dense<0.000000e+00> : vector<27x256xf32>
    %reduce_sum3A_118 = vector.multi_reduction <add>, %mul3A_116, %reduce_sum3A_117 [1] : vector<27x32x256xf32> to vector<27x256xf32>
    %slice3A_119 = vector.extract_strided_slice %reshape3A {offsets = [17, 0, 0], sizes = [1, 32, 256], strides = [1, 1, 1]} : vector<27x32x256xf32> to vector<1x32x256xf32>
    %squeeze3A_120 = vector.shape_cast %slice3A_119 : vector<1x32x256xf32> to vector<32x256xf32>
    %broadcast_in_dim3A_121 = vector.shape_cast %squeeze3A_120 : vector<32x256xf32> to vector<1x32x256xf32>
    %mul3A_122 = vector.broadcast %broadcast_in_dim3A_121 : vector<1x32x256xf32> to vector<27x32x256xf32>
    %mul3A_123 = arith.mulf %reshape3A, %mul3A_122 : vector<27x32x256xf32>
    %reduce_sum3A_124 = arith.constant dense<0.000000e+00> : vector<27x256xf32>
    %reduce_sum3A_125 = vector.multi_reduction <add>, %mul3A_123, %reduce_sum3A_124 [1] : vector<27x32x256xf32> to vector<27x256xf32>
    %slice3A_126 = vector.extract_strided_slice %reshape3A {offsets = [18, 0, 0], sizes = [1, 32, 256], strides = [1, 1, 1]} : vector<27x32x256xf32> to vector<1x32x256xf32>
    %squeeze3A_127 = vector.shape_cast %slice3A_126 : vector<1x32x256xf32> to vector<32x256xf32>
    %broadcast_in_dim3A_128 = vector.shape_cast %squeeze3A_127 : vector<32x256xf32> to vector<1x32x256xf32>
    %mul3A_129 = vector.broadcast %broadcast_in_dim3A_128 : vector<1x32x256xf32> to vector<27x32x256xf32>
    %mul3A_130 = arith.mulf %reshape3A, %mul3A_129 : vector<27x32x256xf32>
    %reduce_sum3A_131 = arith.constant dense<0.000000e+00> : vector<27x256xf32>
    %reduce_sum3A_132 = vector.multi_reduction <add>, %mul3A_130, %reduce_sum3A_131 [1] : vector<27x32x256xf32> to vector<27x256xf32>
    %slice3A_133 = vector.extract_strided_slice %reshape3A {offsets = [19, 0, 0], sizes = [1, 32, 256], strides = [1, 1, 1]} : vector<27x32x256xf32> to vector<1x32x256xf32>
    %squeeze3A_134 = vector.shape_cast %slice3A_133 : vector<1x32x256xf32> to vector<32x256xf32>
    %broadcast_in_dim3A_135 = vector.shape_cast %squeeze3A_134 : vector<32x256xf32> to vector<1x32x256xf32>
    %mul3A_136 = vector.broadcast %broadcast_in_dim3A_135 : vector<1x32x256xf32> to vector<27x32x256xf32>
    %mul3A_137 = arith.mulf %reshape3A, %mul3A_136 : vector<27x32x256xf32>
    %reduce_sum3A_138 = arith.constant dense<0.000000e+00> : vector<27x256xf32>
    %reduce_sum3A_139 = vector.multi_reduction <add>, %mul3A_137, %reduce_sum3A_138 [1] : vector<27x32x256xf32> to vector<27x256xf32>
    %slice3A_140 = vector.extract_strided_slice %reshape3A {offsets = [20, 0, 0], sizes = [1, 32, 256], strides = [1, 1, 1]} : vector<27x32x256xf32> to vector<1x32x256xf32>
    %squeeze3A_141 = vector.shape_cast %slice3A_140 : vector<1x32x256xf32> to vector<32x256xf32>
    %broadcast_in_dim3A_142 = vector.shape_cast %squeeze3A_141 : vector<32x256xf32> to vector<1x32x256xf32>
    %mul3A_143 = vector.broadcast %broadcast_in_dim3A_142 : vector<1x32x256xf32> to vector<27x32x256xf32>
    %mul3A_144 = arith.mulf %reshape3A, %mul3A_143 : vector<27x32x256xf32>
    %reduce_sum3A_145 = arith.constant dense<0.000000e+00> : vector<27x256xf32>
    %reduce_sum3A_146 = vector.multi_reduction <add>, %mul3A_144, %reduce_sum3A_145 [1] : vector<27x32x256xf32> to vector<27x256xf32>
    %slice3A_147 = vector.extract_strided_slice %reshape3A {offsets = [21, 0, 0], sizes = [1, 32, 256], strides = [1, 1, 1]} : vector<27x32x256xf32> to vector<1x32x256xf32>
    %squeeze3A_148 = vector.shape_cast %slice3A_147 : vector<1x32x256xf32> to vector<32x256xf32>
    %broadcast_in_dim3A_149 = vector.shape_cast %squeeze3A_148 : vector<32x256xf32> to vector<1x32x256xf32>
    %mul3A_150 = vector.broadcast %broadcast_in_dim3A_149 : vector<1x32x256xf32> to vector<27x32x256xf32>
    %mul3A_151 = arith.mulf %reshape3A, %mul3A_150 : vector<27x32x256xf32>
    %reduce_sum3A_152 = arith.constant dense<0.000000e+00> : vector<27x256xf32>
    %reduce_sum3A_153 = vector.multi_reduction <add>, %mul3A_151, %reduce_sum3A_152 [1] : vector<27x32x256xf32> to vector<27x256xf32>
    %slice3A_154 = vector.extract_strided_slice %reshape3A {offsets = [22, 0, 0], sizes = [1, 32, 256], strides = [1, 1, 1]} : vector<27x32x256xf32> to vector<1x32x256xf32>
    %squeeze3A_155 = vector.shape_cast %slice3A_154 : vector<1x32x256xf32> to vector<32x256xf32>
    %broadcast_in_dim3A_156 = vector.shape_cast %squeeze3A_155 : vector<32x256xf32> to vector<1x32x256xf32>
    %mul3A_157 = vector.broadcast %broadcast_in_dim3A_156 : vector<1x32x256xf32> to vector<27x32x256xf32>
    %mul3A_158 = arith.mulf %reshape3A, %mul3A_157 : vector<27x32x256xf32>
    %reduce_sum3A_159 = arith.constant dense<0.000000e+00> : vector<27x256xf32>
    %reduce_sum3A_160 = vector.multi_reduction <add>, %mul3A_158, %reduce_sum3A_159 [1] : vector<27x32x256xf32> to vector<27x256xf32>
    %slice3A_161 = vector.extract_strided_slice %reshape3A {offsets = [23, 0, 0], sizes = [1, 32, 256], strides = [1, 1, 1]} : vector<27x32x256xf32> to vector<1x32x256xf32>
    %squeeze3A_162 = vector.shape_cast %slice3A_161 : vector<1x32x256xf32> to vector<32x256xf32>
    %broadcast_in_dim3A_163 = vector.shape_cast %squeeze3A_162 : vector<32x256xf32> to vector<1x32x256xf32>
    %mul3A_164 = vector.broadcast %broadcast_in_dim3A_163 : vector<1x32x256xf32> to vector<27x32x256xf32>
    %mul3A_165 = arith.mulf %reshape3A, %mul3A_164 : vector<27x32x256xf32>
    %reduce_sum3A_166 = arith.constant dense<0.000000e+00> : vector<27x256xf32>
    %reduce_sum3A_167 = vector.multi_reduction <add>, %mul3A_165, %reduce_sum3A_166 [1] : vector<27x32x256xf32> to vector<27x256xf32>
    %slice3A_168 = vector.extract_strided_slice %reshape3A {offsets = [24, 0, 0], sizes = [1, 32, 256], strides = [1, 1, 1]} : vector<27x32x256xf32> to vector<1x32x256xf32>
    %squeeze3A_169 = vector.shape_cast %slice3A_168 : vector<1x32x256xf32> to vector<32x256xf32>
    %broadcast_in_dim3A_170 = vector.shape_cast %squeeze3A_169 : vector<32x256xf32> to vector<1x32x256xf32>
    %mul3A_171 = vector.broadcast %broadcast_in_dim3A_170 : vector<1x32x256xf32> to vector<27x32x256xf32>
    %mul3A_172 = arith.mulf %reshape3A, %mul3A_171 : vector<27x32x256xf32>
    %reduce_sum3A_173 = arith.constant dense<0.000000e+00> : vector<27x256xf32>
    %reduce_sum3A_174 = vector.multi_reduction <add>, %mul3A_172, %reduce_sum3A_173 [1] : vector<27x32x256xf32> to vector<27x256xf32>
    %slice3A_175 = vector.extract_strided_slice %reshape3A {offsets = [25, 0, 0], sizes = [1, 32, 256], strides = [1, 1, 1]} : vector<27x32x256xf32> to vector<1x32x256xf32>
    %squeeze3A_176 = vector.shape_cast %slice3A_175 : vector<1x32x256xf32> to vector<32x256xf32>
    %broadcast_in_dim3A_177 = vector.shape_cast %squeeze3A_176 : vector<32x256xf32> to vector<1x32x256xf32>
    %mul3A_178 = vector.broadcast %broadcast_in_dim3A_177 : vector<1x32x256xf32> to vector<27x32x256xf32>
    %mul3A_179 = arith.mulf %reshape3A, %mul3A_178 : vector<27x32x256xf32>
    %reduce_sum3A_180 = arith.constant dense<0.000000e+00> : vector<27x256xf32>
    %reduce_sum3A_181 = vector.multi_reduction <add>, %mul3A_179, %reduce_sum3A_180 [1] : vector<27x32x256xf32> to vector<27x256xf32>
    %slice3A_182 = vector.extract_strided_slice %reshape3A {offsets = [26, 0, 0], sizes = [1, 32, 256], strides = [1, 1, 1]} : vector<27x32x256xf32> to vector<1x32x256xf32>
    %squeeze3A_183 = vector.shape_cast %slice3A_182 : vector<1x32x256xf32> to vector<32x256xf32>
    %broadcast_in_dim3A_184 = vector.shape_cast %squeeze3A_183 : vector<32x256xf32> to vector<1x32x256xf32>
    %mul3A_185 = vector.broadcast %broadcast_in_dim3A_184 : vector<1x32x256xf32> to vector<27x32x256xf32>
    %mul3A_186 = arith.mulf %reshape3A, %mul3A_185 : vector<27x32x256xf32>
    %reduce_sum3A_187 = arith.constant dense<0.000000e+00> : vector<27x256xf32>
    %reduce_sum3A_188 = vector.multi_reduction <add>, %mul3A_186, %reduce_sum3A_187 [1] : vector<27x32x256xf32> to vector<27x256xf32>
    %concatenate3A_189 = tpu.concatenate %reduce_sum3A_6, %reduce_sum3A_13, %reduce_sum3A_20, %reduce_sum3A_27, %reduce_sum3A_34, %reduce_sum3A_41, %reduce_sum3A_48, %reduce_sum3A_55, %reduce_sum3A_62, %reduce_sum3A_69, %reduce_sum3A_76, %reduce_sum3A_83, %reduce_sum3A_90, %reduce_sum3A_97, %reduce_sum3A_104, %reduce_sum3A_111, %reduce_sum3A_118, %reduce_sum3A_125, %reduce_sum3A_132, %reduce_sum3A_139, %reduce_sum3A_146, %reduce_sum3A_153, %reduce_sum3A_160, %reduce_sum3A_167, %reduce_sum3A_174, %reduce_sum3A_181, %reduce_sum3A_188 in 0 : vector<27x256xf32>, vector<27x256xf32>, vector<27x256xf32>, vector<27x256xf32>, vector<27x256xf32>, vector<27x256xf32>, vector<27x256xf32>, vector<27x256xf32>, vector<27x256xf32>, vector<27x256xf32>, vector<27x256xf32>, vector<27x256xf32>, vector<27x256xf32>, vector<27x256xf32>, vector<27x256xf32>, vector<27x256xf32>, vector<27x256xf32>, vector<27x256xf32>, vector<27x256xf32>, vector<27x256xf32>, vector<27x256xf32>, vector<27x256xf32>, vector<27x256xf32>, vector<27x256xf32>, vector<27x256xf32>, vector<27x256xf32>, vector<27x256xf32> -> vector<729x256xf32>
    %get3A_190 = arith.constant 0 : index
    %get3A_191 = arith.constant 0 : index
    %get3A_192 = vector.load %arg3[%get3A_190, %get3A_191] : memref<512x32xf32, #tpu.memory_space<vmem>>, vector<512x32xf32>
    %dot_general3A = arith.constant dense<0.000000e+00> : vector<512x256xf32>
    %dot_general3A_193 = tpu.matmul %get3A_192, %get3A_1, %dot_general3A {dimension_numbers = #tpu.dot_dimension_numbers<[1], [0], [0], [1], [0, 0, 1, 1], [], []>, transpose_lhs_hint = false} : vector<512x32xf32>, vector<32x256xf32>, vector<512x256xf32> -> vector<512x256xf32>
    %get3A_194 = arith.constant 0 : index
    %get3A_195 = arith.constant 0 : index
    %get3A_196 = vector.load %arg4[%get3A_194, %get3A_195] : memref<512x729xf32, #tpu.memory_space<vmem>>, vector<512x729xf32>
    %dot_general3A_197 = arith.constant dense<0.000000e+00> : vector<512x256xf32>
    %dot_general3A_198 = tpu.matmul %get3A_196, %concatenate3A_189, %dot_general3A_197 {dimension_numbers = #tpu.dot_dimension_numbers<[1], [0], [0], [1], [0, 0, 1, 1], [], []>, transpose_lhs_hint = false} : vector<512x729xf32>, vector<729x256xf32>, vector<512x256xf32> -> vector<512x256xf32>
    %add3A = arith.addf %dot_general3A_193, %dot_general3A_198 : vector<512x256xf32>
    %get3A_199 = arith.constant 0 : index
    %get3A_200 = arith.constant 0 : index
    %get3A_201 = vector.load %arg5[%get3A_199, %get3A_200] : memref<512x1xf32, #tpu.memory_space<vmem>>, vector<512x1xf32>
    %add3A_202 = vector.broadcast %get3A_201 : vector<512x1xf32> to vector<512x256xf32>
    %add3A_203 = arith.addf %add3A, %add3A_202 : vector<512x256xf32>
    %max3A = arith.constant 0.000000e+00 : f32
    %max3A_204 = vector.broadcast %max3A : f32 to vector<512x256xf32>
    %max3A_205 = arith.maximumf %add3A_203, %max3A_204 : vector<512x256xf32>
    %get3A_206 = arith.constant 0 : index
    %get3A_207 = arith.constant 0 : index
    %get3A_208 = vector.load %arg6[%get3A_206, %get3A_207] : memref<256x512xf32, #tpu.memory_space<vmem>>, vector<256x512xf32>
    %dot_general3A_209 = arith.constant dense<0.000000e+00> : vector<256x256xf32>
    %dot_general3A_210 = tpu.matmul %get3A_208, %max3A_205, %dot_general3A_209 {dimension_numbers = #tpu.dot_dimension_numbers<[1], [0], [0], [1], [0, 0, 1, 1], [], []>, transpose_lhs_hint = false} : vector<256x512xf32>, vector<512x256xf32>, vector<256x256xf32> -> vector<256x256xf32>
    %get3A_211 = arith.constant 0 : index
    %get3A_212 = arith.constant 0 : index
    %get3A_213 = vector.load %arg7[%get3A_211, %get3A_212] : memref<256x1xf32, #tpu.memory_space<vmem>>, vector<256x1xf32>
    %add3A_214 = vector.broadcast %get3A_213 : vector<256x1xf32> to vector<256x256xf32>
    %add3A_215 = arith.addf %dot_general3A_210, %add3A_214 : vector<256x256xf32>
    %max3A_216 = arith.constant 0.000000e+00 : f32
    %max3A_217 = vector.broadcast %max3A_216 : f32 to vector<256x256xf32>
    %max3A_218 = arith.maximumf %add3A_215, %max3A_217 : vector<256x256xf32>
    %get3A_219 = arith.constant 0 : index
    %get3A_220 = arith.constant 0 : index
    %get3A_221 = vector.load %arg8[%get3A_219, %get3A_220] : memref<1x256xf32, #tpu.memory_space<vmem>>, vector<1x256xf32>
    %dot_general3A_222 = arith.constant dense<0.000000e+00> : vector<1x256xf32>
    %dot_general3A_223 = tpu.matmul %get3A_221, %max3A_218, %dot_general3A_222 {dimension_numbers = #tpu.dot_dimension_numbers<[1], [0], [0], [1], [0, 0, 1, 1], [], []>, transpose_lhs_hint = false} : vector<1x256xf32>, vector<256x256xf32>, vector<1x256xf32> -> vector<1x256xf32>
    %get3A_224 = arith.constant 0 : index
    %get3A_225 = arith.constant 0 : index
    %get3A_226 = vector.load %arg9[%get3A_224, %get3A_225] : memref<1x1xf32, #tpu.memory_space<vmem>>, vector<1x1xf32>
    %add3A_227 = vector.broadcast %get3A_226 : vector<1x1xf32> to vector<1x256xf32>
    %add3A_228 = arith.addf %dot_general3A_223, %add3A_227 : vector<1x256xf32>
    %logistic3A = arith.negf %add3A_228 : vector<1x256xf32>
    %logistic3A_229 = math.exp %logistic3A : vector<1x256xf32>
    %logistic3A_230 = arith.constant 1.000000e+00 : f32
    %logistic3A_231 = vector.broadcast %logistic3A_230 : f32 to vector<1x256xf32>
    %logistic3A_232 = arith.addf %logistic3A_231, %logistic3A_229 : vector<1x256xf32>
    %logistic3A_233 = arith.divf %logistic3A_231, %logistic3A_232 : vector<1x256xf32>
    %swap3A = arith.constant 0 : index
    %swap3A_234 = arith.constant 0 : index
    %swap3A_235 = vector.load %arg10[%swap3A, %swap3A_234] : memref<1x256xf32, #tpu.memory_space<vmem>>, vector<1x256xf32>
    tpu.vector_store %arg10[%swap3A, %swap3A_234], %logistic3A_233 {strides = array<i32>} : memref<1x256xf32, #tpu.memory_space<vmem>>, vector<1x256xf32>,
    return
  }
  func.func @transform_0(%arg0: i32) -> (i32, i32) {
    %c0_i32 = arith.constant 0 : i32
    %c0_i32_0 = arith.constant 0 : i32
    return %c0_i32, %arg0 : i32, i32
  }
  func.func @transform_1(%arg0: i32) -> (i32, i32) {
    %c0_i32 = arith.constant 0 : i32
    %c0_i32_0 = arith.constant 0 : i32
    return %c0_i32, %arg0 : i32, i32
  }
  func.func @transform_2(%arg0: i32) -> (i32, i32) {
    %c0_i32 = arith.constant 0 : i32
    %c0_i32_0 = arith.constant 0 : i32
    %c0_i32_1 = arith.constant 0 : i32
    return %c0_i32, %c0_i32_0 : i32, i32
  }
  func.func @transform_3(%arg0: i32) -> (i32, i32) {
    %c0_i32 = arith.constant 0 : i32
    %c0_i32_0 = arith.constant 0 : i32
    %c0_i32_1 = arith.constant 0 : i32
    return %c0_i32, %c0_i32_0 : i32, i32
  }
  func.func @transform_4(%arg0: i32) -> (i32, i32) {
    %c0_i32 = arith.constant 0 : i32
    %c0_i32_0 = arith.constant 0 : i32
    %c0_i32_1 = arith.constant 0 : i32
    return %c0_i32, %c0_i32_0 : i32, i32
  }
  func.func @transform_5(%arg0: i32) -> (i32, i32) {
    %c0_i32 = arith.constant 0 : i32
    %c0_i32_0 = arith.constant 0 : i32
    %c0_i32_1 = arith.constant 0 : i32
    return %c0_i32, %c0_i32_0 : i32, i32
  }
  func.func @transform_6(%arg0: i32) -> (i32, i32) {
    %c0_i32 = arith.constant 0 : i32
    %c0_i32_0 = arith.constant 0 : i32
    %c0_i32_1 = arith.constant 0 : i32
    return %c0_i32, %c0_i32_0 : i32, i32
  }
  func.func @transform_7(%arg0: i32) -> (i32, i32) {
    %c0_i32 = arith.constant 0 : i32
    %c0_i32_0 = arith.constant 0 : i32
    %c0_i32_1 = arith.constant 0 : i32
    return %c0_i32, %c0_i32_0 : i32, i32
  }
  func.func @transform_8(%arg0: i32) -> (i32, i32) {
    %c0_i32 = arith.constant 0 : i32
    %c0_i32_0 = arith.constant 0 : i32
    %c0_i32_1 = arith.constant 0 : i32
    return %c0_i32, %c0_i32_0 : i32, i32
  }
  func.func @transform_9(%arg0: i32) -> (i32, i32) {
    %c0_i32 = arith.constant 0 : i32
    %c0_i32_0 = arith.constant 0 : i32
    return %c0_i32, %arg0 : i32, i32
  }
}

</mosaic_0001>

<sc_bundles>
// kernel: kernel.5.cloned.1.call-start
scs
__scs_entry_jumppad:
0x0: {  	(pc) =	sbr.rel $0x88, $3  }
0x1: {  	(tag) =	ssettag $0x0;
	lr =	simm.s32 $0x1  }
0x2: {  	[smem:$0x3F92] =	sst lr;
	_ =	strace $0xD0000000  }
0x3: {  	_ = 	snop  }
0x4: {  	_ = 	snop  }
0x5: {  	_ = 	snop  }
0x6: {  	_ = 	snop  }
0x7: {  	_ = 	snop  }
__scs_overlays_trampoline_lowered:
0x8: {  	[smem:$0x3FA1] =	sst s0  }
0x9: {  	[smem:$0x3FA2] =	sst s1  }
0xa: {  	[smem:$0x3FA3] =	sst s2  }
0xb: {  	[smem:$0x3FA4] =	sst s3  }
0xc: {  	[smem:$0x3FA5] =	sst s4  }
0xd: {  	[smem:$0x3FA6] =	sst s5  }
0xe: {  	[smem:$0x3FA7] =	sst s6  }
0xf: {  	[smem:$0x3FA8] =	sst s7  }
0x10: {  	[smem:$0x3FA9] =	sst s8  }
0x11: {  	[smem:$0x3FAA] =	sst s9;
	s0 =	simm.s32 @!p0 $0x0  }
0x12: {  	s1 =	sld [smem:$0x3F90];
	s0 =	simm.s32 @p0 $0x1  }
0x13: {  	[smem:$0x3FAB] =	sst s0;
	s0 =	simm.s32 @!p1 $0x0  }
0x14: {  	s2 =	sld [smem:$0x3F8F];
	s0 =	simm.s32 @p1 $0x1  }
0x15: {  	[smem:$0x3FAC] =	sst s0;
	s0 =	simm.s32 @!p2 $0x0  }
0x16: {  	s3 =	sld [smem:$0x3FDB];
	s0 =	simm.s32 @p2 $0x1  }
0x17: {  	s4 =	simm.s32 $0x1BF5;
	[smem:$0x3FAE] =	sst s0  }
0x18: {  	s0 =	sld [smem:$0x3F91];
	_ =	swait.ge [sflag:s4], $0x0  }
0x19: {  	s7 =	sld [smem:$0x3F92]  }
0x1a: {  	s8 =	sadd.s32 $0xFFFFE003, lr  }
0x1b: {  	s9 =	sadd.s32 $0xFFFFFEF7, lr;
	s5 =	simm.s32 $0xFFFFFFFF;
	p2 =	slt.u32 s8, $0xFFFFF086  }
0x1c: {  	p1 =	slt.u32 s9, $0xF7A;
	s5 =	simm.s32 @!p2 $0x0  }
0x1d: {  	s5 =	simm.s32 @p1 $0x1;
	p0 =	seq.s32 s7, s2  }
0x1e: {  	s7 =	smul.u32 @!p0 $0xF7A, s2;
	p2 =	seq.s32 @!p0 s5, $0x0  }
0x1f: {  	s9 =	smul.u32 $0xF7A, s1;
	s8 =	simm.s32 @!p0 $0x1BF5;
	p2 =	por !p2, p0  }
0x20: {  	[sflag:s8] =	ssyncset.s32 @!p0 $0xFFFFF086;
	s6 =	sadd.s32 @!p0 s3, s7;
	s7 =	simm.s32 @!p0 $0x108  }
0x21: {  	s3 =	sadd.s32 s3, s9;
	s6 =	sadd.s32 @!p0 $0x88, s6;
	s7 =	simm.s32 @p2 $0x1082  }
0x22: {  	[simem:s7], [sflag:s8] =	dma.local @!p0 [hbm:s6], $0xF7A  }
0x23: {  	s9 =	sor.u32 $0xD0000000, s2;
	s6 =	simm.s32 $0x108;
	_ =	swait.ge @!p0 [sflag:s8], $0x0  }
0x24: {  	s3 =	sadd.s32 $0x88, s3;
	s6 =	simm.s32 @!p1 $0x1082;
	[sflag:s4] =	ssyncset.s32 $0xFFFFF086  }
0x25: {  	[simem:s6], [sflag:s4] =	dma.local [hbm:s3], $0xF7A  }
0x26: {  	[smem:$0x3F92] =	sst s1;
	(tag) =	ssettag s2;
	_ =	strace s9  }
0x27: {  	s1 =	sld [smem:$0x3FA2]  }
0x28: {  	s2 =	sld [smem:$0x3FA3]  }
0x29: {  	s4 =	sld [smem:$0x3FA5]  }
0x2a: {  	p0 =	seq.s32 s5, $0x0;
	s5 =	sld [smem:$0x3FA6]  }
0x2b: {  	s6 =	sld [smem:$0x3FA7]  }
0x2c: {  	s7 =	sld [smem:$0x3FA8]  }
0x2d: {  	s3 =	simm.s32 $0x108;
	s8 =	sld [smem:$0x3FA9]  }
0x2e: {  	s3 =	simm.s32 @!p0 $0x1082;
	s9 =	sld [smem:$0x3FAA]  }
0x2f: {  	lr =	sadd.s32 s0, s3;
	s0 =	sld [smem:$0x3FA1]  }
0x30: {  	s3 =	sld [smem:$0x3FA4]  }
0x31: {  	[smem:$0x3FAD] =	sst s10  }
0x32: {  	s10 =	sld [smem:$0x3FAB];
	_ =	sdelay $0x3  }
0x33: {  	p0 =	seq.s32 s10, $0x1;
	s10 =	sld [smem:$0x3FAD];
	_ =	sdelay $0x3  }
0x34: {  	[smem:$0x3FAD] =	sst s10  }
0x35: {  	s10 =	sld [smem:$0x3FAC];
	_ =	sdelay $0x3  }
0x36: {  	p1 =	seq.s32 s10, $0x1;
	s10 =	sld [smem:$0x3FAD];
	_ =	sdelay $0x3  }
0x37: {  	[smem:$0x3FAD] =	sst s10  }
0x38: {  	s10 =	sld [smem:$0x3FAE]  }
0x39: {  	_ = 	snop;
	(pc) =	sbr.ind lr, $3  }
0x3a: {  	_ = 	snop  }
0x3b: {  	_ = 	snop  }
0x3c: {  	p2 =	seq.s32 s10, $0x1;
	s10 =	sld [smem:$0x3FAD]  }
0x3d: {  	_ =	shalt  }
0x3e: {  	_ =	shalt  }
0x3f: {  	_ =	shalt  }
0x40: {  	_ =	shalt  }
0x41: {  	_ =	shalt  }
0x42: {  	_ =	shalt  }
0x43: {  	_ =	shalt  }
0x44: {  	_ =	shalt  }
0x45: {  	_ =	shalt  }
0x46: {  	_ =	shalt  }
0x47: {  	_ =	shalt  }
0x48: {  	_ =	shalt  }
0x49: {  	_ =	shalt  }
0x4a: {  	_ =	shalt  }
0x4b: {  	_ =	shalt  }
0x4c: {  	_ =	shalt  }
0x4d: {  	_ =	shalt  }
0x4e: {  	_ =	shalt  }
0x4f: {  	_ =	shalt  }
0x50: {  	_ =	shalt  }
0x51: {  	_ =	shalt  }
0x52: {  	_ =	shalt  }
0x53: {  	_ =	shalt  }
0x54: {  	_ =	shalt  }
0x55: {  	_ =	shalt  }
0x56: {  	_ =	shalt  }
0x57: {  	_ =	shalt  }
0x58: {  	_ =	shalt  }
0x59: {  	_ =	shalt  }
0x5a: {  	_ =	shalt  }
0x5b: {  	_ =	shalt  }
0x5c: {  	_ =	shalt  }
0x5d: {  	_ =	shalt  }
0x5e: {  	_ =	shalt  }
0x5f: {  	_ =	shalt  }
0x60: {  	_ =	shalt  }
0x61: {  	_ =	shalt  }
0x62: {  	_ =	shalt  }
0x63: {  	_ =	shalt  }
0x64: {  	_ =	shalt  }
0x65: {  	_ =	shalt  }
0x66: {  	_ =	shalt  }
0x67: {  	_ =	shalt  }
0x68: {  	_ =	shalt  }
0x69: {  	_ =	shalt  }
0x6a: {  	_ =	shalt  }
0x6b: {  	_ =	shalt  }
0x6c: {  	_ =	shalt  }
0x6d: {  	_ =	shalt  }
0x6e: {  	_ =	shalt  }
0x6f: {  	_ =	shalt  }
0x70: {  	_ =	shalt  }
0x71: {  	_ =	shalt  }
0x72: {  	_ =	shalt  }
0x73: {  	_ =	shalt  }
0x74: {  	_ =	shalt  }
0x75: {  	_ =	shalt  }
0x76: {  	_ =	shalt  }
0x77: {  	_ =	shalt  }
0x78: {  	_ =	shalt  }
0x79: {  	_ =	shalt  }
0x7a: {  	_ =	shalt  }
0x7b: {  	_ =	shalt  }
0x7c: {  	_ =	shalt  }
0x7d: {  	_ =	shalt  }
0x7e: {  	_ =	shalt  }
0x7f: {  	_ =	shalt  }
0x80: {  	_ =	shalt  }
0x81: {  	_ =	shalt  }
0x82: {  	_ =	shalt  }
0x83: {  	_ =	shalt  }
0x84: {  	_ =	shalt  }
0x85: {  	_ =	shalt  }
0x86: {  	_ =	shalt  }
0x87: {  	_ =	shalt  }
.Lfunc_end0:
.L_simem_size_0:
called_computation_lowered:
.L_overlay_start_0:
0x88: {  	s2 =	sld [smem:$0x3FD9]  }
0x89: {  	s3 =	sld [smem:$0x3FFE];
	_ =	sdelay $0x1  }
0x8a: {  	s1 =	srdreg.scid  }
0x8b: {  	s0 =	sand.u32 $0x1, s1  }
0x8c: {  	s17 =	sshll.u32 s0, $0xA;
	s2 =	sadd.s32 s3, s2  }
0x8d: {  	s2 =	sadd.s32 s2, s17  }
0x8e: {  	[smem:$0x3FB9] =	sst s2  }
0x8f: {  	_ = 	snop  }
0x90: {  	s2 =	sld [smem:$0x3FC8]  }
0x91: {  	s18 =	sld [smem:$0x3FC7];
	(tm) =	ssettm $0x1  }
0x92: {  	s4 =	sld [smem:$0x3FFB];
	_ =	sdelay $0x3  }
0x93: {  	_ =	strace s4  }
0x94: {  	s4 =	sld [smem:$0x3FFC];
	_ =	sdelay $0x3  }
0x95: {  	_ =	strace s4  }
0x96: {  	s4 =	sld [smem:$0x3FFD];
	_ =	sdelay $0x3  }
0x97: {  	_ =	strace s4  }
0x98: {  	_ =	strace $0x8FFFFFFF  }
0x99: {  	s19 =	sld [smem:$0x3FDB];
	_ =	sdelay $0x1  }
0x9a: {  	s5 =	simm.s32 $_scs_section_size  }
0x9b: {  	s6 =	simm.s32 $_size__tile_overlayer_lowered;
	s7 =	simm.s32 $_tile_overlayer_lowered  }
0x9c: {  	s22 =	simm.s32 $0x1BFF;
	s21 =	sshll.u32 s7, $0x1;
	s4 =	sadd.s32 s5, s19  }
0x9d: {  	s8 =	simm.s32 $0x0;
	s20 =	sshll.u32 s6, $0x1;
	s6 =	sadd.s32 s21, s4  }
0x9e: {  	[timem:s8], [sflag:s22] =	dma.local [hbm:s6], s20  }
0x9f: {  	_ =	swait.ge [sflag:s22], s20  }
0xa0: {  	s5 =	ssub.s32 $0x0, s20;
	[sflag:s22] =	ssyncset.done $0x0  }
0xa1: {  	[sflag:s22] =	ssyncadd.s32 s5;
	_ =	sdelay $0x1  }
0xa2: {  	s23 =	simm.s32 $0x1B8B  }
0xa3: {  	_ =	swait.ge [sflag:s23], $0x1  }
0xa4: {  	[sflag:s23] =	ssyncset.done $0x0  }
0xa5: {  	s25 =	simm.s32 $0x1B8E;
	s24 =	sld [smem:$0x3FFE];
	[sflag:s23] =	ssyncadd.s32 $0xFFFFFFFF  }
0xa6: {  	s26 =	simm.s32 $execute0_lowered;
	[smem:$0x3FD2] =	sst s25  }
0xa7: {  	s6 =	sshll.u32 s26, $0x1;
	_ =	strace $0x80000046;
	[dreg:$0x1] =	wrdreg $0xFFFFFFFF  }
0xa8: {  	s28 =	simm.s32 $_size_execute0_lowered;
	s4 =	sadd.s32 s4, s6;
	[dreg:$0x0] =	wrdreg $0x0  }
0xa9: {  	s6 =	sshll.u32 s28, $0x1;
	[dreg:$0x2] =	wrdreg s4  }
0xaa: {  	[dreg:$0x3] =	wrdreg s6  }
0xab: {  	[dreg:$0x4] =	wrdreg $0xC0  }
0xac: {  	_ =	task [dreg:s8], $0x5FFFF  }
0xad: {  	[dreg:$0x1] =	wrdreg $0xFFFFFFFF  }
0xae: {  	[dreg:$0x0] =	wrdreg $0x60  }
0xaf: {  	[dreg:$0x2] =	wrdreg s18  }
0xb0: {  	[dreg:$0x3] =	wrdreg s2  }
0xb1: {  	[dreg:$0x4] =	wrdreg s24  }
0xb2: {  	[dreg:$0x5] =	wrdreg $0x9  }
0xb3: {  	_ =	task.clear_ibuf [dreg:s8], $0x6FFFF;
	_ =	strace $0x90000046  }
0xb4: {  	s29 =	simm.s32 $0x9;
	_ =	strace $0x80000048  }
0xb5: {  	_ =	swait.ge [sflag:s29], $0x1  }
0xb6: {  	[sflag:s29] =	ssyncadd.s32 $0xFFFFFFFF  }
0xb7: {  	_ =	strace $0x90000048  }
0xb8: {  	_ =	sfence  }
0xb9: {  	s30 =	sld [smem:$0x0];
	_ =	sdelay $0x2  }
0xba: {  	s31 =	sshll.u32 s1, $0xD;
	s1 =	sshrl.u32 s1, $0x2  }
0xbb: {  	s3 =	sand.u32 $0x4000, s31;
	s1 =	sadd.s32 s1, s30  }
0xbc: {  	s0 =	sor.u32 s3, s0;
	s1 =	sshll.u32 s1, $0x11  }
0xbd: {  	s0 =	sor.u32 s1, s0  }
0xbe: {  	s0 =	sadd.s32 $0x8F2B, s0  }
0xbf: {  	[sflag:s0] =	ssyncadd.remote.s32 $0x1  }
0xc0: {  	_ =	sfence.sel $0xFFFF  }
0xc1: {  	[dreg:$0x0] =	wrdreg $0xFFFFFFFF;
	(pc) =	sbr.abs _section_cstart, $3  }
0xc2: {  	[dreg:$0x1] =	wrdreg $0xFFFFFFFF  }
0xc3: {  	_ =	task.clear_ibuf [dreg:s8], $0x2FFFF;
	_ =	strace $0x9FFFFFFF  }
0xc4: {  	(tm) =	ssettm $0x7FFFFFFF  }
0xc5: {  	_ =	shalt  }
tec
execute0_lowered:
.L_overlay_start_1:
0x0: {  	(tag) =	ssettag $0x1  }
0x1: {  	s1 =	rddreg [dreg:$0x0]  }
0x2: {  	s3 =	rddreg [dreg:$0x1];
	s0 =	srdreg.scid  }
0x3: {  	s4 =	stileid.u32;
	s2 =	rddreg [dreg:$0x2];
	s11 =	simm.s32 $0x80  }
0x4: {  	s12 =	simm.s32 $0x400;
	s13 =	simm.s32 $0x18700;
	s14 =	simm.s32 $0xC380  }
0x5: {  	s15 =	simm.s32 $0x3;
	s16 =	simm.s32 $0x19700;
	s17 =	simm.s32 $0x1  }
0x6: {  	s18 =	simm.s32 $0x2;
	s0 =	sand.u32 $0x1, s0;
	s5 =	sshll.u32 s4, $0x1  }
0x7: {  	s19 =	simm.s32 $0x1A700;
	s20 =	simm.s32 $0x1B700;
	s7 =	sor.u32 s0, s5  }
0x8: {  	s21 =	simm.s32 $0x4;
	s4 =	simm.s32 $0x0;
	s5 =	smul.u32 $0x1A, s7  }
0x9: {  	s22 =	simm.s32 $0x0;
	s6 =	sadd.s32 $0x2000, s2;
	[smem:$0x7FF] =	sst s4  }
0xa: {  	s0 =	ssub.s32 $0x2, s0;
	_ =	strace $0x80000047;
	s28 =	sshrl.u32 s5, $0x3  }
0xb: {  	s8 =	sshrl.u32 s0, $0x1;
	s7 =	sshll.u32 s7, $0x8;
	s2 =	smul.u32 $0xC3800, s28  }
0xc: {  	s7 =	sand.u32 $0x300, s7;
	s9 =	sshll.u32 s5, $0x4;
	s10 =	sshrl.u32 s5, $0x1  }
0xd: {  	s9 =	sand.u32 $0x3000, s9;
	s10 =	sand.u32 $0x70, s10;
	s2 =	sor.u32 s7, s2  }
0xe: {  	s0 =	ssub.s32 s0, s8;
	s29 =	sor.u32 s10, s9;
	s30 =	sadd.s32 $0x61C00, s2  }
0xf: {  	s10 =	smax.u32 s0, $0x1;
	s2 =	sshrl.u32 s2, $0x3;
	s31 =	sshrl.u32 s30, $0x3  }
0x10: {  	s7 =	sadd.s32 s3, s29;
	s8 =	sadd.s32 s1, s2;
	s9 =	sadd.s32 s1, s31  }
.LBB2_1:
0x11: {  	[tilespmem:s13], [sflag:$0x3] =	stream.strided.gather [hbm4b:s7+s11], $0x1000, s12, s11, $0x38;
	[tilespmem:$0x1C700] =	vst v63  }
0x12: {  	_ = 	snop  }
0x13: {  	[tilespmem:s4], [sflag:$0x1] =	stream.strided.gather [hbm4b:s8+s11], $0xC380, s12, s11, $0x38;
	[tilespmem:$0x1C700] =	vst v63  }
0x14: {  	s23 =	simm.s32 $0x0  }
0x15: {  	[tilespmem:s14], [sflag:$0x2] =	stream.strided.gather [hbm4b:s9+s11], $0xC380, s12, s11, $0x38;
	[tilespmem:$0x1C700] =	vst v63  }
.LBB2_2:
0x16: {  	s0 =	sshll.u32 s23, $0x1  }
0x17: {  	s25 =	sadd.s32 s5, s0  }
0x18: {  	s0 =	sshrl.u32 s25, $0x1  }
0x19: {  	_ =	swait.ge [sflag:s15], $0x1000;
	s26 =	sshll.u32 s25, $0x4;
	s0 =	sand.u32 $0x70, s0  }
0x1a: {  	[sflag:s15] =	ssyncset.done $0x0;
	s2 =	sand.u32 $0xFFFF000, s26;
	s0 =	sadd.s32 s3, s0  }
0x1b: {  	p0 =	seq.s32 s23, $0x0;
	[sflag:s15] =	ssyncadd.s32 $0xFFFFF000;
	s0 =	sadd.s32 s2, s0  }
0x1c: {  	[tilespmem:s16], [sflag:$0x3] =	stream.strided.gather [hbm4b:s0+s11], $0x1000, s12, s11, $0x38;
	[tilespmem:$0x1C700] =	vst v63  }
0x1d: {  	s0 =	simm.s32 @!p0 $0x4  }
0x1e: {  	_ =	swait.ge @!p0 [sflag:s0], $0x1000  }
0x1f: {  	[sflag:s0] =	ssyncset.done @!p0 $0x0  }
0x20: {  	[sflag:s0] =	ssyncadd.s32 @!p0 $0xFFFFF000  }
0x21: {  	_ =	swait.ge [sflag:s17], $0xC380  }
0x22: {  	[sflag:s17] =	ssyncset.done $0x0  }
0x23: {  	s28 =	simm.s32 $0x0;
	[sflag:s17] =	ssyncadd.s32 $0xFFFF3C80  }
0x24: {  	v0 =	vld [tilespmem:s28+$0x18700];
	_ =	sdelay $0x4  }
0x25: {  	s2 =	simm.s32 $0x10;
	vm0 =	vlt.s32 v0, $0xC37F  }
0x26: {  	v1 =	vld [tilespmem:s2+$0x18700];
	v0 =	vnsel vm0, $0xC37F, v0;
	_ =	sdelay $0x4  }
0x27: {  	vm15 =	vlt.s32 v1, $0xC37F;
	v0 =	vld.idx.msk [tilespmem:v0+s4+$0x0], $0xffff  }
0x28: {  	s30 =	simm.s32 $0x20;
	s24 =	sor.u32 $0x1, s25;
	s0 =	simm.s32 $0xC0;
	v1 =	vnsel vm15, $0xC37F, v1  }
.LBB2_3:
0x29: {  	p1 =	sne.s32 s0, $0x3FC0;
	v2 =	vld [tilespmem:s30+$0x18700];
	_ =	sdelay $0x1  }
.Ltmp0:
0x2a: {  	(pc) =	sbr.rel @p1 .LBB2_3-.Ltmp0, $4  }
0x2b: {  	[tilespmem:s28+$0x1A700] =	vst v0;
	s28 =	smov.u32 s2;
	s2 =	smov.u32 s30  }
0x2c: {  	v0 =	vld.idx.msk [tilespmem:v1+s4+$0x0], $0xffff  }
0x2d: {  	vm0 =	vlt.s32 v2, $0xC37F  }
0x2e: {  	s30 =	sshra.s32 s0, $0x2;
	s0 =	sadd.s32 $0x40, s0;
	v1 =	vnsel vm0, $0xC37F, v2  }
0x2f: {  	v2 =	vld [tilespmem:s30+$0x18700];
	_ =	sdelay $0x3  }
0x30: {  	[tilespmem:s28+$0x1A700] =	vst v0  }
0x31: {  	v0 =	vld.idx.msk [tilespmem:v1+s4+$0x0], $0xffff;
	vm0 =	vlt.s32 v2, $0xC37F  }
0x32: {  	v1 =	vnsel vm0, $0xC37F, v2;
	_ =	sdelay $0x3  }
0x33: {  	[tilespmem:s2+$0x1A700] =	vst v0  }
0x34: {  	s0 =	sshrl.u32 s25, $0x3;
	v0 =	vld.idx.msk [tilespmem:v1+s4+$0x0], $0xffff  }
0x35: {  	s28 =	smul.u32 $0xC3800, s0;
	s2 =	sshll.u32 s24, $0x7  }
0x36: {  	s29 =	sand.u32 $0x380, s2  }
0x37: {  	s0 =	sor.u32 s29, s28  }
0x38: {  	s0 =	sshrl.u32 s0, $0x3  }
0x39: {  	s2 =	simm.s32 $0x0;
	s0 =	sadd.s32 s1, s0;
	[tilespmem:s30+$0x1A700] =	vst v0  }
0x3a: {  	[tilespmem:s2], [sflag:$0x1] =	stream.strided.gather [hbm4b:s0+s11], $0xC380, s12, s11, $0x38;
	[tilespmem:$0x1C700] =	vst v63  }
0x3b: {  	_ =	swait.ge [sflag:s18], $0xC380  }
0x3c: {  	[sflag:s18] =	ssyncset.done $0x0  }
0x3d: {  	s31 =	simm.s32 $0x0;
	[sflag:s18] =	ssyncadd.s32 $0xFFFF3C80  }
0x3e: {  	v0 =	vld [tilespmem:s31+$0x18700];
	_ =	sdelay $0x4  }
0x3f: {  	v2 =	vadd.s32 $0xFFFF3C80, v0  }
0x40: {  	s30 =	simm.s32 $0x10;
	vm14 =	vgt.s32 v2, $0x0  }
0x41: {  	v1 =	vld [tilespmem:s30+$0x18700];
	v2 =	vnsel vm14, $0x0, v2;
	_ =	sdelay $0x3  }
0x42: {  	v3 =	vld [tilespmem:s31+$0x1A700]  }
0x43: {  	v4 =	vadd.s32 $0xFFFF3C80, v1;
	v2 =	vld.idx.msk [tilespmem:v2+s14+$0x0], $0xffff  }
0x44: {  	vm15 =	vgt.s32 v4, $0x0  }
0x45: {  	s2 =	simm.s32 $0x20;
	s0 =	simm.s32 $0xC0;
	v4 =	vnsel vm15, $0x0, v4  }
.LBB2_5:
0x46: {  	p1 =	sne.s32 s0, $0x3FC0;
	v5 =	vld [tilespmem:s2+$0x18700]  }
0x47: {  	vm0 =	vgt.s32 v0, $0xC37F;
	v0 =	vmov v1  }
0x48: {  	v1 =	vsel vm0, v2, v3  }
.Ltmp1:
0x49: {  	[tilespmem:s31+$0x1A700] =	vst v1;
	s31 =	smov.u32 s30;
	s30 =	smov.u32 s2;
	(pc) =	sbr.rel @p1 .LBB2_5-.Ltmp1, $4  }
0x4a: {  	v2 =	vld.idx.msk [tilespmem:v4+s14+$0x0], $0xffff  }
0x4b: {  	v4 =	vadd.s32 $0xFFFF3C80, v5;
	v3 =	vld [tilespmem:s31+$0x1A700];
	v1 =	vmov v5  }
0x4c: {  	vm0 =	vgt.s32 v4, $0x0  }
0x4d: {  	s2 =	sshra.s32 s0, $0x2;
	s0 =	sadd.s32 $0x40, s0;
	v4 =	vnsel vm0, $0x0, v4  }
0x4e: {  	_ = 	snop  }
0x4f: {  	v5 =	vld [tilespmem:s2+$0x18700];
	vm0 =	vgt.s32 v0, $0xC37F  }
0x50: {  	v0 =	vsel vm0, v2, v3  }
0x51: {  	[tilespmem:s31+$0x1A700] =	vst v0  }
0x52: {  	v0 =	vld.idx.msk [tilespmem:v4+s14+$0x0], $0xffff  }
0x53: {  	v3 =	vld [tilespmem:s30+$0x1A700]  }
0x54: {  	v2 =	vadd.s32 $0xFFFF3C80, v5  }
0x55: {  	vm11 =	vgt.s32 v2, $0x0  }
0x56: {  	v2 =	vnsel vm11, $0x0, v2  }
0x57: {  	vm12 =	vgt.s32 v1, $0xC37F  }
0x58: {  	v0 =	vsel vm12, v0, v3  }
0x59: {  	[tilespmem:s30+$0x1A700] =	vst v0  }
0x5a: {  	v1 =	vld [tilespmem:s2+$0x1A700]  }
0x5b: {  	v0 =	vld.idx.msk [tilespmem:v2+s14+$0x0], $0xffff  }
0x5c: {  	s0 =	sadd.s32 s29, s28  }
0x5d: {  	s0 =	sadd.s32 $0x61C00, s0  }
0x5e: {  	s0 =	sshrl.u32 s0, $0x3  }
0x5f: {  	p1 =	slt.s32 s25, $0x33D;
	s0 =	sadd.s32 s1, s0;
	vm13 =	vgt.s32 v5, $0xC37F  }
0x60: {  	s31 =	sand.u32 $0x60, s26;
	s30 =	sshll.u32 s25, $0x9;
	s25 =	simm.s32 @!p1 $0x33D;
	v0 =	vsel vm13, v0, v1  }
0x61: {  	s26 =	sand.u32 $0xFFFF000, s30;
	s28 =	sadd.s32 $0x2, s25;
	[tilespmem:s2+$0x1A700] =	vst v0;
	s2 =	sadd.s32 s6, s31  }
0x62: {  	[tilespmem:s14], [sflag:$0x2] =	stream.strided.gather [hbm4b:s0+s11], $0xC380, s12, s11, $0x38;
	[tilespmem:$0x1C700] =	vst v63  }
0x63: {  	s30 =	sshrl.u32 s28, $0x1;
	s0 =	sadd.s32 s26, s2  }
0x64: {  	[hbm4b:s0+s11] =	stream.strided.scatter [tilespmem:s19], [sflag:$0x4], $0x1000, s12, s11, $0x38;
	[tilespmem:$0x1C700] =	vst v63  }
0x65: {  	s31 =	sshll.u32 s28, $0x4;
	s0 =	sand.u32 $0x70, s30;
	_ =	swait.ge [sflag:s15], $0x1000  }
0x66: {  	s2 =	sand.u32 $0xFFFF000, s31;
	s0 =	sadd.s32 s3, s0;
	[sflag:s15] =	ssyncset.done $0x0  }
0x67: {  	s0 =	sadd.s32 s2, s0;
	[sflag:s15] =	ssyncadd.s32 $0xFFFFF000  }
0x68: {  	[tilespmem:s13], [sflag:$0x3] =	stream.strided.gather [hbm4b:s0+s11], $0x1000, s12, s11, $0x38;
	[tilespmem:$0x1C700] =	vst v63  }
0x69: {  	s0 =	simm.s32 @!p0 $0x4  }
0x6a: {  	_ =	swait.ge @!p0 [sflag:s0], $0x1000  }
0x6b: {  	[sflag:s0] =	ssyncset.done @!p0 $0x0  }
0x6c: {  	[sflag:s0] =	ssyncadd.s32 @!p0 $0xFFFFF000  }
0x6d: {  	_ =	swait.ge [sflag:s17], $0xC380  }
0x6e: {  	[sflag:s17] =	ssyncset.done $0x0  }
0x6f: {  	s25 =	simm.s32 $0x0;
	[sflag:s17] =	ssyncadd.s32 $0xFFFF3C80  }
0x70: {  	v0 =	vld [tilespmem:s25+$0x19700];
	_ =	sdelay $0x4  }
0x71: {  	s2 =	simm.s32 $0x10;
	vm14 =	vlt.s32 v0, $0xC37F  }
0x72: {  	v1 =	vld [tilespmem:s2+$0x19700];
	v0 =	vnsel vm14, $0xC37F, v0;
	_ =	sdelay $0x4  }
0x73: {  	vm15 =	vlt.s32 v1, $0xC37F;
	v0 =	vld.idx.msk [tilespmem:v0+s4+$0x0], $0xffff  }
0x74: {  	s29 =	simm.s32 $0x20;
	s0 =	simm.s32 $0xC0;
	v1 =	vnsel vm15, $0xC37F, v1  }
.LBB2_7:
0x75: {  	p0 =	sne.s32 s0, $0x3FC0;
	v2 =	vld [tilespmem:s29+$0x19700];
	_ =	sdelay $0x1  }
.Ltmp2:
0x76: {  	(pc) =	sbr.rel @p0 .LBB2_7-.Ltmp2, $4  }
0x77: {  	[tilespmem:s25+$0x1B700] =	vst v0;
	s25 =	smov.u32 s2;
	s2 =	smov.u32 s29  }
0x78: {  	v0 =	vld.idx.msk [tilespmem:v1+s4+$0x0], $0xffff  }
0x79: {  	vm0 =	vlt.s32 v2, $0xC37F  }
0x7a: {  	s29 =	sshra.s32 s0, $0x2;
	s0 =	sadd.s32 $0x40, s0;
	v1 =	vnsel vm0, $0xC37F, v2  }
0x7b: {  	v2 =	vld [tilespmem:s29+$0x19700];
	_ =	sdelay $0x3  }
0x7c: {  	[tilespmem:s25+$0x1B700] =	vst v0  }
0x7d: {  	v0 =	vld.idx.msk [tilespmem:v1+s4+$0x0], $0xffff;
	vm0 =	vlt.s32 v2, $0xC37F  }
0x7e: {  	v1 =	vnsel vm0, $0xC37F, v2;
	_ =	sdelay $0x3  }
0x7f: {  	[tilespmem:s2+$0x1B700] =	vst v0  }
0x80: {  	s0 =	sshrl.u32 s28, $0x3;
	v0 =	vld.idx.msk [tilespmem:v1+s4+$0x0], $0xffff  }
0x81: {  	s25 =	smul.u32 $0xC3800, s0;
	s2 =	sshll.u32 s28, $0x7  }
0x82: {  	s28 =	sand.u32 $0x380, s2  }
0x83: {  	s0 =	sor.u32 s28, s25  }
0x84: {  	s0 =	sshrl.u32 s0, $0x3  }
0x85: {  	s31 =	simm.s32 $0x0;
	s0 =	sadd.s32 s1, s0;
	[tilespmem:s29+$0x1B700] =	vst v0  }
0x86: {  	[tilespmem:s31], [sflag:$0x1] =	stream.strided.gather [hbm4b:s0+s11], $0xC380, s12, s11, $0x38;
	[tilespmem:$0x1C700] =	vst v63  }
0x87: {  	_ =	swait.ge [sflag:s18], $0xC380  }
0x88: {  	[sflag:s18] =	ssyncset.done $0x0  }
0x89: {  	s30 =	simm.s32 $0x0;
	[sflag:s18] =	ssyncadd.s32 $0xFFFF3C80  }
0x8a: {  	v0 =	vld [tilespmem:s30+$0x19700];
	_ =	sdelay $0x4  }
0x8b: {  	v2 =	vadd.s32 $0xFFFF3C80, v0  }
0x8c: {  	s29 =	simm.s32 $0x10;
	vm14 =	vgt.s32 v2, $0x0  }
0x8d: {  	v1 =	vld [tilespmem:s29+$0x19700];
	v2 =	vnsel vm14, $0x0, v2;
	_ =	sdelay $0x3  }
0x8e: {  	v3 =	vld [tilespmem:s30+$0x1B700]  }
0x8f: {  	v4 =	vadd.s32 $0xFFFF3C80, v1;
	v2 =	vld.idx.msk [tilespmem:v2+s14+$0x0], $0xffff  }
0x90: {  	vm15 =	vgt.s32 v4, $0x0  }
0x91: {  	s2 =	simm.s32 $0x20;
	s0 =	simm.s32 $0xC0;
	v4 =	vnsel vm15, $0x0, v4  }
.LBB2_9:
0x92: {  	p0 =	sne.s32 s0, $0x3FC0;
	v5 =	vld [tilespmem:s2+$0x19700]  }
0x93: {  	vm0 =	vgt.s32 v0, $0xC37F;
	v0 =	vmov v1  }
0x94: {  	v1 =	vsel vm0, v2, v3  }
.Ltmp3:
0x95: {  	[tilespmem:s30+$0x1B700] =	vst v1;
	s30 =	smov.u32 s29;
	s29 =	smov.u32 s2;
	(pc) =	sbr.rel @p0 .LBB2_9-.Ltmp3, $4  }
0x96: {  	v2 =	vld.idx.msk [tilespmem:v4+s14+$0x0], $0xffff  }
0x97: {  	v4 =	vadd.s32 $0xFFFF3C80, v5;
	v3 =	vld [tilespmem:s30+$0x1B700];
	v1 =	vmov v5  }
0x98: {  	vm0 =	vgt.s32 v4, $0x0  }
0x99: {  	s2 =	sshra.s32 s0, $0x2;
	s0 =	sadd.s32 $0x40, s0;
	v4 =	vnsel vm0, $0x0, v4  }
0x9a: {  	_ = 	snop  }
0x9b: {  	v5 =	vld [tilespmem:s2+$0x19700];
	vm0 =	vgt.s32 v0, $0xC37F  }
0x9c: {  	v0 =	vsel vm0, v2, v3  }
0x9d: {  	[tilespmem:s30+$0x1B700] =	vst v0  }
0x9e: {  	v0 =	vld.idx.msk [tilespmem:v4+s14+$0x0], $0xffff  }
0x9f: {  	v62 =	vld [tilespmem:s29+$0x1B700]  }
0xa0: {  	v61 =	vadd.s32 $0xFFFF3C80, v5  }
0xa1: {  	vm13 =	vgt.s32 v61, $0x0  }
0xa2: {  	v2 =	vnsel vm13, $0x0, v61  }
0xa3: {  	vm14 =	vgt.s32 v1, $0xC37F  }
0xa4: {  	v0 =	vsel vm14, v0, v62  }
0xa5: {  	[tilespmem:s29+$0x1B700] =	vst v0  }
0xa6: {  	v63 =	vld [tilespmem:s2+$0x1B700]  }
0xa7: {  	v0 =	vld.idx.msk [tilespmem:v2+s14+$0x0], $0xffff;
	_ =	sdelay $0x2  }
0xa8: {  	s0 =	sadd.s32 s28, s25  }
0xa9: {  	s23 =	sadd.s32 $0x1, s23;
	s0 =	sadd.s32 $0x61C00, s0;
	vm15 =	vgt.s32 v5, $0xC37F  }
0xaa: {  	p0 =	sne.s32 s23, $0xD;
	s0 =	sshrl.u32 s0, $0x3;
	v0 =	vsel vm15, v0, v63  }
.Ltmp4:
0xab: {  	s0 =	sadd.s32 s1, s0;
	s30 =	sshll.u32 s24, $0x4;
	[tilespmem:s2+$0x1B700] =	vst v0;
	(pc) =	sbr.rel @p0 .LBB2_2-.Ltmp4, $4  }
0xac: {  	[tilespmem:s14], [sflag:$0x2] =	stream.strided.gather [hbm4b:s0+s11], $0xC380, s12, s11, $0x38;
	[tilespmem:$0x1C700] =	vst v63  }
0xad: {  	s31 =	sadd.s32 s6, s26;
	s0 =	sand.u32 $0x70, s30  }
0xae: {  	s0 =	sadd.s32 s0, s31  }
0xaf: {  	[hbm4b:s0+s11] =	stream.strided.scatter [tilespmem:s20], [sflag:$0x4], $0x1000, s12, s11, $0x38;
	[tilespmem:$0x1C700] =	vst v63  }
0xb0: {  	_ =	swait.ge [sflag:s17], $0xC380  }
0xb1: {  	[sflag:s17] =	ssyncset.done $0x0  }
0xb2: {  	[sflag:s17] =	ssyncadd.s32 $0xFFFF3C80  }
0xb3: {  	_ =	swait.ge [sflag:s18], $0xC380  }
0xb4: {  	[sflag:s18] =	ssyncset.done $0x0  }
0xb5: {  	[sflag:s18] =	ssyncadd.s32 $0xFFFF3C80  }
0xb6: {  	_ =	swait.ge [sflag:s15], $0x1000  }
0xb7: {  	[sflag:s15] =	ssyncset.done $0x0  }
0xb8: {  	s22 =	sadd.s32 $0x1, s22;
	[sflag:s15] =	ssyncadd.s32 $0xFFFFF000  }
0xb9: {  	p0 =	sne.s32 s22, s10;
	_ =	swait.ge [sflag:s21], $0x1000  }
.Ltmp5:
0xba: {  	[sflag:s21] =	ssyncset.done $0x0;
	(pc) =	sbr.rel @p0 .LBB2_1-.Ltmp5, $4  }
0xbb: {  	[sflag:s21] =	ssyncadd.s32 $0xFFFFF000  }
0xbc: {  	_ =	swait.ge [sflag:s21], $0x1000  }
0xbd: {  	[sflag:s21] =	ssyncset.done $0x0  }
0xbe: {  	[sflag:s21] =	ssyncadd.s32 $0xFFFFF000  }
0xbf: {  	_ =	sfence.sel $0x180000  }
0xc0: {  	[bflag:$0x0] =	sbarrier.arrive $0xFFFF  }
0xc1: {  	_ =	strace $0x90000047  }
0xc2: {  	s0 =	stileid.u32;
	[bflag:$0x2] =	sbarrier.arrive $0xFFFF  }
0xc3: {  	p0 =	sne.s32 s0, $0x0;
	s0 =	rddreg [dreg:$0x3]  }
0xc4: {  	s0 =	sadd.s32 @!p0 $0x100000, s0  }
0xc5: {  	[sflag:s0] =	ssyncadd.tile.s32 @!p0 $0x1;
	_ =	shalt  }
.Lfunc_end2:
_tile_overlayer_lowered:
.L_overlay_start_2:
0xc6: {  	(tag) =	ssettag $0x2  }
0xc7: {  	s0 =	rddreg [dreg:$0x0];
	s2 =	stileid.u32  }
0xc8: {  	s1 =	rddreg [dreg:$0x1];
	p0 =	sne.s32 s2, $0x0  }
0xc9: {  	s3 =	rddreg [dreg:$0x2];
	[bflag:$0x3] =	sbarrier.arrive $0xFFFF;
	s2 =	simm.s32 @!p0 $0x1C05  }
0xca: {  	[timem:s3], [sflag:s2] =	dma.local @!p0 [hbm:s0], s1  }
0xcb: {  	s0 =	simm.s32 @!p0 $0x5  }
0xcc: {  	_ =	swait.ge @!p0 [sflag:s0], s1  }
0xcd: {  	s1 =	ssub.s32 @!p0 $0x0, s1;
	[sflag:s0] =	ssyncset.done @!p0 $0x0  }
0xce: {  	[sflag:s0] =	ssyncadd.s32 @!p0 s1  }
0xcf: {  	[bflag:$0x3] =	sbarrier.arrive $0xFFFF  }
0xd0: {  	_ =	shalt  }

</sc_bundles>
